<compile_context>
chip_gen: v7x
topology: tpu7x:2x2x1
jax: 0.10.2.dev20260603
libtpu: 0.0.44.dev20260713+nightly
codegen_flags: <defaults>
</compile_context>

<pallas_src>
import functools

import jax
import jax.numpy as jnp
from jax import lax
from jax.experimental import pallas as pl
from jax.experimental.pallas import tpu as pltpu
from jax.experimental.pallas import tpu_sc as plsc

MODEL_DIM = 4096
NUM_EXPERTS = 64
K = 2
NUM_TOKENS = 8192
BLK = 512
NBLK = NUM_TOKENS // BLK


def _gate_tc_body(x_ref, wt_ref, ltri_ref, probs_ref, cw_ref, eidx_ref,
                  rwe_ref, counts_ref, offsets_ref, carry):
    i = pl.program_id(0)

    @pl.when(i == 0)
    def _init():
        carry[...] = jnp.zeros_like(carry)

    logits = jax.lax.dot_general(
        x_ref[...], wt_ref[...], (((1,), (0,)), ((), ())),
        precision=jax.lax.Precision.DEFAULT,
        preferred_element_type=jnp.float32)

    m = jnp.max(logits, axis=-1, keepdims=True)
    el = jnp.exp(logits - m)
    z = jnp.sum(el, axis=-1, keepdims=True)
    probs = el / z
    probs_ref[...] = probs

    iota = lax.broadcasted_iota(jnp.int32, (BLK, NUM_EXPERTS), 1)
    is1 = logits == m
    i1 = jnp.min(jnp.where(is1, iota, NUM_EXPERTS), axis=-1, keepdims=True)
    sel1 = iota == i1
    masked = jnp.where(sel1, -jnp.inf, logits)
    m2 = jnp.max(masked, axis=-1, keepdims=True)
    is2 = masked == m2
    i2 = jnp.min(jnp.where(is2, iota, NUM_EXPERTS), axis=-1, keepdims=True)
    sel2 = iota == i2

    p1 = jnp.sum(jnp.where(sel1, probs, 0.0), axis=-1, keepdims=True)
    p2 = jnp.sum(jnp.where(sel2, probs, 0.0), axis=-1, keepdims=True)
    q = jnp.exp(p2 - p1)
    zz = 1.0 + q
    cw_ref[...] = jnp.concatenate([1.0 / zz, q / zz], axis=1)
    eidx_ref[...] = jnp.concatenate([i1, i2], axis=1)

    occ = (sel1 | sel2).astype(jnp.bfloat16)
    c_local = jnp.dot(ltri_ref[...], occ, preferred_element_type=jnp.float32)
    c_tot = carry[...] + c_local

    r1 = jnp.sum(jnp.where(sel1, c_tot, 0.0), axis=-1, keepdims=True)
    r2 = jnp.sum(jnp.where(sel2, c_tot, 0.0), axis=-1, keepdims=True)
    rwe_ref[...] = jnp.concatenate([r1, r2], axis=1).astype(jnp.int32)

    new_carry = carry[...] + jnp.sum(occ.astype(jnp.float32), axis=0,
                                     keepdims=True)
    carry[...] = new_carry

    @pl.when(i == NBLK - 1)
    def _fin():
        counts = new_carry.astype(jnp.int32)
        counts_ref[...] = counts[0]
        inc = counts
        for sh in (1, 2, 4, 8, 16, 32):
            shifted = jnp.concatenate(
                [jnp.zeros((1, sh), jnp.int32), inc[:, :-sh]], axis=1)
            inc = inc + shifted
        offsets_ref[...] = (inc - counts)[0]


def _gate_tc(x, wt, ltri):
    return pl.pallas_call(
        _gate_tc_body,
        grid=(NBLK,),
        in_specs=[
            pl.BlockSpec((BLK, MODEL_DIM), lambda i: (i, 0)),
            pl.BlockSpec((MODEL_DIM, NUM_EXPERTS), lambda i: (0, 0)),
            pl.BlockSpec((BLK, BLK), lambda i: (0, 0)),
        ],
        out_specs=[
            pl.BlockSpec((BLK, NUM_EXPERTS), lambda i: (i, 0)),
            pl.BlockSpec((BLK, K), lambda i: (i, 0)),
            pl.BlockSpec((BLK, K), lambda i: (i, 0)),
            pl.BlockSpec((BLK, K), lambda i: (i, 0)),
            pl.BlockSpec((NUM_EXPERTS,), lambda i: (0,)),
            pl.BlockSpec((NUM_EXPERTS,), lambda i: (0,)),
        ],
        out_shape=[
            jax.ShapeDtypeStruct((NUM_TOKENS, NUM_EXPERTS), jnp.float32),
            jax.ShapeDtypeStruct((NUM_TOKENS, K), jnp.float32),
            jax.ShapeDtypeStruct((NUM_TOKENS, K), jnp.int32),
            jax.ShapeDtypeStruct((NUM_TOKENS, K), jnp.int32),
            jax.ShapeDtypeStruct((NUM_EXPERTS,), jnp.int32),
            jax.ShapeDtypeStruct((NUM_EXPERTS,), jnp.int32),
        ],
        scratch_shapes=[pltpu.VMEM((1, NUM_EXPERTS), jnp.float32)],
    )(x, wt, ltri)


N_FLAT = NUM_TOKENS * K
_NUM_SC_CORES = 2
_NUM_SUBCORES = 16
_NW = _NUM_SC_CORES * _NUM_SUBCORES
_CHUNK = N_FLAT // _NW
_NVEC = _CHUNK // 16
_HALF = N_FLAT // _NUM_SC_CORES


def _gate_sc_body(eidx_hbm, rwe_hbm, offs_hbm, rev_hbm, div_hbm,
                  e_v, rwe_v, offs_v, rev_v, ef_v, rwf_v, div_v, sem):
    cid = lax.axis_index("c")
    sid = lax.axis_index("s")
    wid = sid * _NUM_SC_CORES + cid
    base = wid * _CHUNK
    in_copies = [
        pltpu.async_copy(eidx_hbm.at[pl.ds(base, _CHUNK)], e_v, sem),
        pltpu.async_copy(rwe_hbm.at[pl.ds(base, _CHUNK)], rwe_v, sem),
        pltpu.async_copy(offs_hbm, offs_v, sem),
    ]
    for cp in in_copies:
        cp.wait()
    for j in range(_NVEC):
        sl = pl.ds(j * 16, 16)
        e = e_v[sl]
        rw = rwe_v[sl]
        off = plsc.load_gather(offs_v, [e])
        r = off + rw
        rev_v[sl] = r
    rev_cp = pltpu.async_copy(rev_v, rev_hbm.at[pl.ds(base, _CHUNK)], sem)

    @pl.when(sid == 0)
    def _scatter():
        cps = [
            pltpu.async_copy(eidx_hbm, ef_v, sem),
            pltpu.async_copy(rwe_hbm, rwf_v, sem),
        ]
        for cp in cps:
            cp.wait()
        lo = cid * _HALF

        @plsc.parallel_loop(0, N_FLAT // 16, unroll=8)
        def _it(j):
            sl = pl.ds(j * 16, 16)
            e = ef_v[sl]
            rw = rwf_v[sl]
            r = plsc.load_gather(offs_v, [e]) + rw
            val = (j * 16 + lax.iota(jnp.int32, 16)) >> 1
            m = (r >= lo) & (r < lo + _HALF)
            plsc.store_scatter(div_v, [r - lo], val, mask=m)

        pltpu.sync_copy(div_v, div_hbm.at[pl.ds(lo, _HALF)])

    rev_cp.wait()


@functools.cache
def _build_gate_sc():
    return pl.kernel(
        _gate_sc_body,
        out_type=[
            jax.ShapeDtypeStruct((N_FLAT,), jnp.int32),
            jax.ShapeDtypeStruct((N_FLAT,), jnp.int32),
        ],
        mesh=plsc.VectorSubcoreMesh(core_axis_name="c",
                                    subcore_axis_name="s"),
        compiler_params=pltpu.CompilerParams(needs_layout_passes=False),
        scratch_types=[
            pltpu.VMEM((_CHUNK,), jnp.int32),
            pltpu.VMEM((_CHUNK,), jnp.int32),
            pltpu.VMEM((NUM_EXPERTS,), jnp.int32),
            pltpu.VMEM((_CHUNK,), jnp.int32),
            pltpu.VMEM((N_FLAT,), jnp.int32),
            pltpu.VMEM((N_FLAT,), jnp.int32),
            pltpu.VMEM((_HALF,), jnp.int32),
            pltpu.SemaphoreType.DMA,
        ],
    )


def kernel(inputs, W):
    wt = W.T
    ltri = (jnp.arange(BLK, dtype=jnp.int32)[None, :]
            < jnp.arange(BLK, dtype=jnp.int32)[:, None]).astype(jnp.bfloat16)
    probs, cw, eidx, rwe, counts, offsets = _gate_tc(inputs, wt, ltri)
    rev, sort_div = _build_gate_sc()(eidx.reshape(-1), rwe.reshape(-1),
                                     offsets)
    input_splits = counts.astype(jnp.int64)
    return (sort_div, rev, cw.reshape(-1), input_splits, probs)

# --- scband reference (transcript-rebuilt; emitter-appended) ---
"""Pipeline reference for scband-local-gate-19971597927216 (READ-ONLY COPY).

The authoritative reference and input builder live on the scoring server;
editing this copy changes nothing except your own understanding.
"""

import jax, jax.numpy as jnp
import numpy as np

MODEL_DIM = 4096
NUM_EXPERTS = 64
K = 2
NUM_TOKENS = 8192

def setup_inputs(seed: int = 0) -> dict:
    key = jax.random.key(seed)
    k1, k2 = jax.random.split(key)
    inputs = jax.random.normal(k1, (NUM_TOKENS, MODEL_DIM), dtype=jnp.float32)
    W = jax.random.normal(k2, (NUM_EXPERTS, MODEL_DIM), dtype=jnp.float32) * 0.02
    return {"inputs": inputs, "W": W}

def reference(inputs, W):
    # logits = wg(inputs); torch Linear(no bias): x @ W.T
    logits = jnp.dot(inputs, W.T)
    probs = jax.nn.softmax(logits, axis=-1)
    topk_probs, topk_indices = jax.lax.top_k(probs, K)
    topk_indices = topk_indices.reshape(-1)
    # sorted_topk_indices, sort_ordering = torch.sort(topk_indices)
    sort_ordering = jnp.argsort(topk_indices)
    sorted_topk_indices = topk_indices[sort_ordering]
    # reverse_sort: empty.scatter_(0, order, arange)
    reversed_ordering = jnp.zeros_like(sort_ordering).at[sort_ordering].set(
        jnp.arange(sort_ordering.shape[0], dtype=sort_ordering.dtype))
    sort_ordering_div = sort_ordering // K
    # input_splits via unique_consecutive counts on sorted indices == bincount
    input_splits = jnp.bincount(sorted_topk_indices, length=NUM_EXPERTS).astype(jnp.int64)
    if K > 1:
        combine_weights = jax.nn.softmax(topk_probs, axis=-1)
    else:
        combine_weights = topk_probs
    combine_weights = combine_weights.reshape(-1).astype(inputs.dtype)
    # gate_st is False, so no straight-through adjustment
    return (sort_ordering_div, reversed_ordering, combine_weights, input_splits, probs)

if __name__ == "__main__":
    import jax
    _d = setup_inputs()
    print(jax.jit(kernel)(*tuple(_d.values())))

</pallas_src>

<mosaic_0001>
#map = affine_map<(d0, d1) -> (0)>
module attributes {stable_mosaic.version = 14 : i64} {
  func.func @_gate_sc_body(%arg0: i32, %arg1: i32, %arg2: memref<16384xi32, #tpu.memory_space<hbm>>, %arg3: memref<16384xi32, #tpu.memory_space<hbm>>, %arg4: memref<64xi32, #tpu.memory_space<hbm>>, %arg5: memref<16384xi32, #tpu.memory_space<hbm>>, %arg6: memref<16384xi32, #tpu.memory_space<hbm>>, %arg7: memref<512xi32, #tpu.memory_space<vmem>>, %arg8: memref<512xi32, #tpu.memory_space<vmem>>, %arg9: memref<64xi32, #tpu.memory_space<vmem>>, %arg10: memref<512xi32, #tpu.memory_space<vmem>>, %arg11: memref<16384xi32, #tpu.memory_space<vmem>>, %arg12: memref<16384xi32, #tpu.memory_space<vmem>>, %arg13: memref<8192xi32, #tpu.memory_space<vmem>>, %arg14: memref<!tpu.dma_semaphore, #tpu.memory_space<semaphore_mem>>) attributes {dimension_semantics = [#tpu.dimension_semantics<core_parallel>, #tpu.dimension_semantics<subcore_parallel>], iteration_bounds = array<i64: 2, 16>, scalar_prefetch = 0 : i64, scratch_operands = 8 : i64, tpu.core_type = #tpu.core_type<sc_vector_subcore>, window_params = [{transform_indices = #map}, {transform_indices = #map}, {transform_indices = #map}, {transform_indices = #map}, {transform_indices = #map}]} {
    %mul3A = arith.constant 2 : i32
    %mul3A_0 = arith.muli %arg1, %mul3A : i32
    %add3A = arith.addi %mul3A_0, %arg0 : i32
    %mul3A_1 = arith.constant 512 : i32
    %mul3A_2 = arith.muli %add3A, %mul3A_1 : i32
    %dma_start3A = tpu.memref_slice %arg2[%mul3A_2] : memref<16384xi32, #tpu.memory_space<hbm>> -> memref<512xi32, #tpu.memory_space<hbm>>
    %dma_start3A_3 = tpu.memref_slice %arg2[%mul3A_2] : memref<16384xi32, #tpu.memory_space<hbm>> -> memref<512xi32, #tpu.memory_space<hbm>>
    tpu.enqueue_dma source(%dma_start3A_3 : memref<512xi32, #tpu.memory_space<hbm>>) target(%arg7 : memref<512xi32, #tpu.memory_space<vmem>>) target_semaphore(%arg14 : memref<!tpu.dma_semaphore, #tpu.memory_space<semaphore_mem>>)
    %dma_start3A_4 = tpu.memref_slice %arg3[%mul3A_2] : memref<16384xi32, #tpu.memory_space<hbm>> -> memref<512xi32, #tpu.memory_space<hbm>>
    %dma_start3A_5 = tpu.memref_slice %arg3[%mul3A_2] : memref<16384xi32, #tpu.memory_space<hbm>> -> memref<512xi32, #tpu.memory_space<hbm>>
    tpu.enqueue_dma source(%dma_start3A_5 : memref<512xi32, #tpu.memory_space<hbm>>) target(%arg8 : memref<512xi32, #tpu.memory_space<vmem>>) target_semaphore(%arg14 : memref<!tpu.dma_semaphore, #tpu.memory_space<semaphore_mem>>)
    tpu.enqueue_dma source(%arg4 : memref<64xi32, #tpu.memory_space<hbm>>) target(%arg9 : memref<64xi32, #tpu.memory_space<vmem>>) target_semaphore(%arg14 : memref<!tpu.dma_semaphore, #tpu.memory_space<semaphore_mem>>)
    %dma_wait3A = tpu.memref_slice %arg2[%mul3A_2] : memref<16384xi32, #tpu.memory_space<hbm>> -> memref<512xi32, #tpu.memory_space<hbm>>
    %dma_wait3A_6 = tpu.memref_slice %arg2[%mul3A_2] : memref<16384xi32, #tpu.memory_space<hbm>> -> memref<512xi32, #tpu.memory_space<hbm>>
    tpu.wait_dma2 semaphore(%arg14 : memref<!tpu.dma_semaphore, #tpu.memory_space<semaphore_mem>>) src(%dma_wait3A_6 : memref<512xi32, #tpu.memory_space<hbm>>) dst(%arg7 : memref<512xi32, #tpu.memory_space<vmem>>)
    %dma_wait3A_7 = tpu.memref_slice %arg3[%mul3A_2] : memref<16384xi32, #tpu.memory_space<hbm>> -> memref<512xi32, #tpu.memory_space<hbm>>
    %dma_wait3A_8 = tpu.memref_slice %arg3[%mul3A_2] : memref<16384xi32, #tpu.memory_space<hbm>> -> memref<512xi32, #tpu.memory_space<hbm>>
    tpu.wait_dma2 semaphore(%arg14 : memref<!tpu.dma_semaphore, #tpu.memory_space<semaphore_mem>>) src(%dma_wait3A_8 : memref<512xi32, #tpu.memory_space<hbm>>) dst(%arg8 : memref<512xi32, #tpu.memory_space<vmem>>)
    tpu.wait_dma2 semaphore(%arg14 : memref<!tpu.dma_semaphore, #tpu.memory_space<semaphore_mem>>) src(%arg4 : memref<64xi32, #tpu.memory_space<hbm>>) dst(%arg9 : memref<64xi32, #tpu.memory_space<vmem>>)
    %get3A = arith.constant 0 : index
    %get3A_9 = tpu.vector_load %arg7[%get3A] {strides = array<i32>} : memref<512xi32, #tpu.memory_space<vmem>>, vector<16xi32>,
    %get3A_10 = arith.constant 0 : index
    %get3A_11 = tpu.vector_load %arg8[%get3A_10] {strides = array<i32>} : memref<512xi32, #tpu.memory_space<vmem>>, vector<16xi32>,
    %gather3A = tpu.vector_load_idx %arg9[%get3A_9] : memref<64xi32, #tpu.memory_space<vmem>>[vector<16xi32>], vector<16xi32>,
    %add3A_12 = arith.addi %gather3A, %get3A_11 : vector<16xi32>
    %swap3A = arith.constant 0 : index
    %swap3A_13 = tpu.vector_load %arg10[%swap3A] {strides = array<i32>} : memref<512xi32, #tpu.memory_space<vmem>>, vector<16xi32>,
    tpu.vector_store %arg10[%swap3A], %add3A_12 {strides = array<i32>} : memref<512xi32, #tpu.memory_space<vmem>>, vector<16xi32>,
    %get3A_14 = arith.constant 16 : index
    %get3A_15 = tpu.vector_load %arg7[%get3A_14] {strides = array<i32>} : memref<512xi32, #tpu.memory_space<vmem>>, vector<16xi32>,
    %get3A_16 = arith.constant 16 : index
    %get3A_17 = tpu.vector_load %arg8[%get3A_16] {strides = array<i32>} : memref<512xi32, #tpu.memory_space<vmem>>, vector<16xi32>,
    %gather3A_18 = tpu.vector_load_idx %arg9[%get3A_15] : memref<64xi32, #tpu.memory_space<vmem>>[vector<16xi32>], vector<16xi32>,
    %add3A_19 = arith.addi %gather3A_18, %get3A_17 : vector<16xi32>
    %swap3A_20 = arith.constant 16 : index
    %swap3A_21 = tpu.vector_load %arg10[%swap3A_20] {strides = array<i32>} : memref<512xi32, #tpu.memory_space<vmem>>, vector<16xi32>,
    tpu.vector_store %arg10[%swap3A_20], %add3A_19 {strides = array<i32>} : memref<512xi32, #tpu.memory_space<vmem>>, vector<16xi32>,
    %get3A_22 = arith.constant 32 : index
    %get3A_23 = tpu.vector_load %arg7[%get3A_22] {strides = array<i32>} : memref<512xi32, #tpu.memory_space<vmem>>, vector<16xi32>,
    %get3A_24 = arith.constant 32 : index
    %get3A_25 = tpu.vector_load %arg8[%get3A_24] {strides = array<i32>} : memref<512xi32, #tpu.memory_space<vmem>>, vector<16xi32>,
    %gather3A_26 = tpu.vector_load_idx %arg9[%get3A_23] : memref<64xi32, #tpu.memory_space<vmem>>[vector<16xi32>], vector<16xi32>,
    %add3A_27 = arith.addi %gather3A_26, %get3A_25 : vector<16xi32>
    %swap3A_28 = arith.constant 32 : index
    %swap3A_29 = tpu.vector_load %arg10[%swap3A_28] {strides = array<i32>} : memref<512xi32, #tpu.memory_space<vmem>>, vector<16xi32>,
    tpu.vector_store %arg10[%swap3A_28], %add3A_27 {strides = array<i32>} : memref<512xi32, #tpu.memory_space<vmem>>, vector<16xi32>,
    %get3A_30 = arith.constant 48 : index
    %get3A_31 = tpu.vector_load %arg7[%get3A_30] {strides = array<i32>} : memref<512xi32, #tpu.memory_space<vmem>>, vector<16xi32>,
    %get3A_32 = arith.constant 48 : index
    %get3A_33 = tpu.vector_load %arg8[%get3A_32] {strides = array<i32>} : memref<512xi32, #tpu.memory_space<vmem>>, vector<16xi32>,
    %gather3A_34 = tpu.vector_load_idx %arg9[%get3A_31] : memref<64xi32, #tpu.memory_space<vmem>>[vector<16xi32>], vector<16xi32>,
    %add3A_35 = arith.addi %gather3A_34, %get3A_33 : vector<16xi32>
    %swap3A_36 = arith.constant 48 : index
    %swap3A_37 = tpu.vector_load %arg10[%swap3A_36] {strides = array<i32>} : memref<512xi32, #tpu.memory_space<vmem>>, vector<16xi32>,
    tpu.vector_store %arg10[%swap3A_36], %add3A_35 {strides = array<i32>} : memref<512xi32, #tpu.memory_space<vmem>>, vector<16xi32>,
    %get3A_38 = arith.constant 64 : index
    %get3A_39 = tpu.vector_load %arg7[%get3A_38] {strides = array<i32>} : memref<512xi32, #tpu.memory_space<vmem>>, vector<16xi32>,
    %get3A_40 = arith.constant 64 : index
    %get3A_41 = tpu.vector_load %arg8[%get3A_40] {strides = array<i32>} : memref<512xi32, #tpu.memory_space<vmem>>, vector<16xi32>,
    %gather3A_42 = tpu.vector_load_idx %arg9[%get3A_39] : memref<64xi32, #tpu.memory_space<vmem>>[vector<16xi32>], vector<16xi32>,
    %add3A_43 = arith.addi %gather3A_42, %get3A_41 : vector<16xi32>
    %swap3A_44 = arith.constant 64 : index
    %swap3A_45 = tpu.vector_load %arg10[%swap3A_44] {strides = array<i32>} : memref<512xi32, #tpu.memory_space<vmem>>, vector<16xi32>,
    tpu.vector_store %arg10[%swap3A_44], %add3A_43 {strides = array<i32>} : memref<512xi32, #tpu.memory_space<vmem>>, vector<16xi32>,
    %get3A_46 = arith.constant 80 : index
    %get3A_47 = tpu.vector_load %arg7[%get3A_46] {strides = array<i32>} : memref<512xi32, #tpu.memory_space<vmem>>, vector<16xi32>,
    %get3A_48 = arith.constant 80 : index
    %get3A_49 = tpu.vector_load %arg8[%get3A_48] {strides = array<i32>} : memref<512xi32, #tpu.memory_space<vmem>>, vector<16xi32>,
    %gather3A_50 = tpu.vector_load_idx %arg9[%get3A_47] : memref<64xi32, #tpu.memory_space<vmem>>[vector<16xi32>], vector<16xi32>,
    %add3A_51 = arith.addi %gather3A_50, %get3A_49 : vector<16xi32>
    %swap3A_52 = arith.constant 80 : index
    %swap3A_53 = tpu.vector_load %arg10[%swap3A_52] {strides = array<i32>} : memref<512xi32, #tpu.memory_space<vmem>>, vector<16xi32>,
    tpu.vector_store %arg10[%swap3A_52], %add3A_51 {strides = array<i32>} : memref<512xi32, #tpu.memory_space<vmem>>, vector<16xi32>,
    %get3A_54 = arith.constant 96 : index
    %get3A_55 = tpu.vector_load %arg7[%get3A_54] {strides = array<i32>} : memref<512xi32, #tpu.memory_space<vmem>>, vector<16xi32>,
    %get3A_56 = arith.constant 96 : index
    %get3A_57 = tpu.vector_load %arg8[%get3A_56] {strides = array<i32>} : memref<512xi32, #tpu.memory_space<vmem>>, vector<16xi32>,
    %gather3A_58 = tpu.vector_load_idx %arg9[%get3A_55] : memref<64xi32, #tpu.memory_space<vmem>>[vector<16xi32>], vector<16xi32>,
    %add3A_59 = arith.addi %gather3A_58, %get3A_57 : vector<16xi32>
    %swap3A_60 = arith.constant 96 : index
    %swap3A_61 = tpu.vector_load %arg10[%swap3A_60] {strides = array<i32>} : memref<512xi32, #tpu.memory_space<vmem>>, vector<16xi32>,
    tpu.vector_store %arg10[%swap3A_60], %add3A_59 {strides = array<i32>} : memref<512xi32, #tpu.memory_space<vmem>>, vector<16xi32>,
    %get3A_62 = arith.constant 112 : index
    %get3A_63 = tpu.vector_load %arg7[%get3A_62] {strides = array<i32>} : memref<512xi32, #tpu.memory_space<vmem>>, vector<16xi32>,
    %get3A_64 = arith.constant 112 : index
    %get3A_65 = tpu.vector_load %arg8[%get3A_64] {strides = array<i32>} : memref<512xi32, #tpu.memory_space<vmem>>, vector<16xi32>,
    %gather3A_66 = tpu.vector_load_idx %arg9[%get3A_63] : memref<64xi32, #tpu.memory_space<vmem>>[vector<16xi32>], vector<16xi32>,
    %add3A_67 = arith.addi %gather3A_66, %get3A_65 : vector<16xi32>
    %swap3A_68 = arith.constant 112 : index
    %swap3A_69 = tpu.vector_load %arg10[%swap3A_68] {strides = array<i32>} : memref<512xi32, #tpu.memory_space<vmem>>, vector<16xi32>,
    tpu.vector_store %arg10[%swap3A_68], %add3A_67 {strides = array<i32>} : memref<512xi32, #tpu.memory_space<vmem>>, vector<16xi32>,
    %get3A_70 = arith.constant 128 : index
    %get3A_71 = tpu.vector_load %arg7[%get3A_70] {strides = array<i32>} : memref<512xi32, #tpu.memory_space<vmem>>, vector<16xi32>,
    %get3A_72 = arith.constant 128 : index
    %get3A_73 = tpu.vector_load %arg8[%get3A_72] {strides = array<i32>} : memref<512xi32, #tpu.memory_space<vmem>>, vector<16xi32>,
    %gather3A_74 = tpu.vector_load_idx %arg9[%get3A_71] : memref<64xi32, #tpu.memory_space<vmem>>[vector<16xi32>], vector<16xi32>,
    %add3A_75 = arith.addi %gather3A_74, %get3A_73 : vector<16xi32>
    %swap3A_76 = arith.constant 128 : index
    %swap3A_77 = tpu.vector_load %arg10[%swap3A_76] {strides = array<i32>} : memref<512xi32, #tpu.memory_space<vmem>>, vector<16xi32>,
    tpu.vector_store %arg10[%swap3A_76], %add3A_75 {strides = array<i32>} : memref<512xi32, #tpu.memory_space<vmem>>, vector<16xi32>,
    %get3A_78 = arith.constant 144 : index
    %get3A_79 = tpu.vector_load %arg7[%get3A_78] {strides = array<i32>} : memref<512xi32, #tpu.memory_space<vmem>>, vector<16xi32>,
    %get3A_80 = arith.constant 144 : index
    %get3A_81 = tpu.vector_load %arg8[%get3A_80] {strides = array<i32>} : memref<512xi32, #tpu.memory_space<vmem>>, vector<16xi32>,
    %gather3A_82 = tpu.vector_load_idx %arg9[%get3A_79] : memref<64xi32, #tpu.memory_space<vmem>>[vector<16xi32>], vector<16xi32>,
    %add3A_83 = arith.addi %gather3A_82, %get3A_81 : vector<16xi32>
    %swap3A_84 = arith.constant 144 : index
    %swap3A_85 = tpu.vector_load %arg10[%swap3A_84] {strides = array<i32>} : memref<512xi32, #tpu.memory_space<vmem>>, vector<16xi32>,
    tpu.vector_store %arg10[%swap3A_84], %add3A_83 {strides = array<i32>} : memref<512xi32, #tpu.memory_space<vmem>>, vector<16xi32>,
    %get3A_86 = arith.constant 160 : index
    %get3A_87 = tpu.vector_load %arg7[%get3A_86] {strides = array<i32>} : memref<512xi32, #tpu.memory_space<vmem>>, vector<16xi32>,
    %get3A_88 = arith.constant 160 : index
    %get3A_89 = tpu.vector_load %arg8[%get3A_88] {strides = array<i32>} : memref<512xi32, #tpu.memory_space<vmem>>, vector<16xi32>,
    %gather3A_90 = tpu.vector_load_idx %arg9[%get3A_87] : memref<64xi32, #tpu.memory_space<vmem>>[vector<16xi32>], vector<16xi32>,
    %add3A_91 = arith.addi %gather3A_90, %get3A_89 : vector<16xi32>
    %swap3A_92 = arith.constant 160 : index
    %swap3A_93 = tpu.vector_load %arg10[%swap3A_92] {strides = array<i32>} : memref<512xi32, #tpu.memory_space<vmem>>, vector<16xi32>,
    tpu.vector_store %arg10[%swap3A_92], %add3A_91 {strides = array<i32>} : memref<512xi32, #tpu.memory_space<vmem>>, vector<16xi32>,
    %get3A_94 = arith.constant 176 : index
    %get3A_95 = tpu.vector_load %arg7[%get3A_94] {strides = array<i32>} : memref<512xi32, #tpu.memory_space<vmem>>, vector<16xi32>,
    %get3A_96 = arith.constant 176 : index
    %get3A_97 = tpu.vector_load %arg8[%get3A_96] {strides = array<i32>} : memref<512xi32, #tpu.memory_space<vmem>>, vector<16xi32>,
    %gather3A_98 = tpu.vector_load_idx %arg9[%get3A_95] : memref<64xi32, #tpu.memory_space<vmem>>[vector<16xi32>], vector<16xi32>,
    %add3A_99 = arith.addi %gather3A_98, %get3A_97 : vector<16xi32>
    %swap3A_100 = arith.constant 176 : index
    %swap3A_101 = tpu.vector_load %arg10[%swap3A_100] {strides = array<i32>} : memref<512xi32, #tpu.memory_space<vmem>>, vector<16xi32>,
    tpu.vector_store %arg10[%swap3A_100], %add3A_99 {strides = array<i32>} : memref<512xi32, #tpu.memory_space<vmem>>, vector<16xi32>,
    %get3A_102 = arith.constant 192 : index
    %get3A_103 = tpu.vector_load %arg7[%get3A_102] {strides = array<i32>} : memref<512xi32, #tpu.memory_space<vmem>>, vector<16xi32>,
    %get3A_104 = arith.constant 192 : index
    %get3A_105 = tpu.vector_load %arg8[%get3A_104] {strides = array<i32>} : memref<512xi32, #tpu.memory_space<vmem>>, vector<16xi32>,
    %gather3A_106 = tpu.vector_load_idx %arg9[%get3A_103] : memref<64xi32, #tpu.memory_space<vmem>>[vector<16xi32>], vector<16xi32>,
    %add3A_107 = arith.addi %gather3A_106, %get3A_105 : vector<16xi32>
    %swap3A_108 = arith.constant 192 : index
    %swap3A_109 = tpu.vector_load %arg10[%swap3A_108] {strides = array<i32>} : memref<512xi32, #tpu.memory_space<vmem>>, vector<16xi32>,
    tpu.vector_store %arg10[%swap3A_108], %add3A_107 {strides = array<i32>} : memref<512xi32, #tpu.memory_space<vmem>>, vector<16xi32>,
    %get3A_110 = arith.constant 208 : index
    %get3A_111 = tpu.vector_load %arg7[%get3A_110] {strides = array<i32>} : memref<512xi32, #tpu.memory_space<vmem>>, vector<16xi32>,
    %get3A_112 = arith.constant 208 : index
    %get3A_113 = tpu.vector_load %arg8[%get3A_112] {strides = array<i32>} : memref<512xi32, #tpu.memory_space<vmem>>, vector<16xi32>,
    %gather3A_114 = tpu.vector_load_idx %arg9[%get3A_111] : memref<64xi32, #tpu.memory_space<vmem>>[vector<16xi32>], vector<16xi32>,
    %add3A_115 = arith.addi %gather3A_114, %get3A_113 : vector<16xi32>
    %swap3A_116 = arith.constant 208 : index
    %swap3A_117 = tpu.vector_load %arg10[%swap3A_116] {strides = array<i32>} : memref<512xi32, #tpu.memory_space<vmem>>, vector<16xi32>,
    tpu.vector_store %arg10[%swap3A_116], %add3A_115 {strides = array<i32>} : memref<512xi32, #tpu.memory_space<vmem>>, vector<16xi32>,
    %get3A_118 = arith.constant 224 : index
    %get3A_119 = tpu.vector_load %arg7[%get3A_118] {strides = array<i32>} : memref<512xi32, #tpu.memory_space<vmem>>, vector<16xi32>,
    %get3A_120 = arith.constant 224 : index
    %get3A_121 = tpu.vector_load %arg8[%get3A_120] {strides = array<i32>} : memref<512xi32, #tpu.memory_space<vmem>>, vector<16xi32>,
    %gather3A_122 = tpu.vector_load_idx %arg9[%get3A_119] : memref<64xi32, #tpu.memory_space<vmem>>[vector<16xi32>], vector<16xi32>,
    %add3A_123 = arith.addi %gather3A_122, %get3A_121 : vector<16xi32>
    %swap3A_124 = arith.constant 224 : index
    %swap3A_125 = tpu.vector_load %arg10[%swap3A_124] {strides = array<i32>} : memref<512xi32, #tpu.memory_space<vmem>>, vector<16xi32>,
    tpu.vector_store %arg10[%swap3A_124], %add3A_123 {strides = array<i32>} : memref<512xi32, #tpu.memory_space<vmem>>, vector<16xi32>,
    %get3A_126 = arith.constant 240 : index
    %get3A_127 = tpu.vector_load %arg7[%get3A_126] {strides = array<i32>} : memref<512xi32, #tpu.memory_space<vmem>>, vector<16xi32>,
    %get3A_128 = arith.constant 240 : index
    %get3A_129 = tpu.vector_load %arg8[%get3A_128] {strides = array<i32>} : memref<512xi32, #tpu.memory_space<vmem>>, vector<16xi32>,
    %gather3A_130 = tpu.vector_load_idx %arg9[%get3A_127] : memref<64xi32, #tpu.memory_space<vmem>>[vector<16xi32>], vector<16xi32>,
    %add3A_131 = arith.addi %gather3A_130, %get3A_129 : vector<16xi32>
    %swap3A_132 = arith.constant 240 : index
    %swap3A_133 = tpu.vector_load %arg10[%swap3A_132] {strides = array<i32>} : memref<512xi32, #tpu.memory_space<vmem>>, vector<16xi32>,
    tpu.vector_store %arg10[%swap3A_132], %add3A_131 {strides = array<i32>} : memref<512xi32, #tpu.memory_space<vmem>>, vector<16xi32>,
    %get3A_134 = arith.constant 256 : index
    %get3A_135 = tpu.vector_load %arg7[%get3A_134] {strides = array<i32>} : memref<512xi32, #tpu.memory_space<vmem>>, vector<16xi32>,
    %get3A_136 = arith.constant 256 : index
    %get3A_137 = tpu.vector_load %arg8[%get3A_136] {strides = array<i32>} : memref<512xi32, #tpu.memory_space<vmem>>, vector<16xi32>,
    %gather3A_138 = tpu.vector_load_idx %arg9[%get3A_135] : memref<64xi32, #tpu.memory_space<vmem>>[vector<16xi32>], vector<16xi32>,
    %add3A_139 = arith.addi %gather3A_138, %get3A_137 : vector<16xi32>
    %swap3A_140 = arith.constant 256 : index
    %swap3A_141 = tpu.vector_load %arg10[%swap3A_140] {strides = array<i32>} : memref<512xi32, #tpu.memory_space<vmem>>, vector<16xi32>,
    tpu.vector_store %arg10[%swap3A_140], %add3A_139 {strides = array<i32>} : memref<512xi32, #tpu.memory_space<vmem>>, vector<16xi32>,
    %get3A_142 = arith.constant 272 : index
    %get3A_143 = tpu.vector_load %arg7[%get3A_142] {strides = array<i32>} : memref<512xi32, #tpu.memory_space<vmem>>, vector<16xi32>,
    %get3A_144 = arith.constant 272 : index
    %get3A_145 = tpu.vector_load %arg8[%get3A_144] {strides = array<i32>} : memref<512xi32, #tpu.memory_space<vmem>>, vector<16xi32>,
    %gather3A_146 = tpu.vector_load_idx %arg9[%get3A_143] : memref<64xi32, #tpu.memory_space<vmem>>[vector<16xi32>], vector<16xi32>,
    %add3A_147 = arith.addi %gather3A_146, %get3A_145 : vector<16xi32>
    %swap3A_148 = arith.constant 272 : index
    %swap3A_149 = tpu.vector_load %arg10[%swap3A_148] {strides = array<i32>} : memref<512xi32, #tpu.memory_space<vmem>>, vector<16xi32>,
    tpu.vector_store %arg10[%swap3A_148], %add3A_147 {strides = array<i32>} : memref<512xi32, #tpu.memory_space<vmem>>, vector<16xi32>,
    %get3A_150 = arith.constant 288 : index
    %get3A_151 = tpu.vector_load %arg7[%get3A_150] {strides = array<i32>} : memref<512xi32, #tpu.memory_space<vmem>>, vector<16xi32>,
    %get3A_152 = arith.constant 288 : index
    %get3A_153 = tpu.vector_load %arg8[%get3A_152] {strides = array<i32>} : memref<512xi32, #tpu.memory_space<vmem>>, vector<16xi32>,
    %gather3A_154 = tpu.vector_load_idx %arg9[%get3A_151] : memref<64xi32, #tpu.memory_space<vmem>>[vector<16xi32>], vector<16xi32>,
    %add3A_155 = arith.addi %gather3A_154, %get3A_153 : vector<16xi32>
    %swap3A_156 = arith.constant 288 : index
    %swap3A_157 = tpu.vector_load %arg10[%swap3A_156] {strides = array<i32>} : memref<512xi32, #tpu.memory_space<vmem>>, vector<16xi32>,
    tpu.vector_store %arg10[%swap3A_156], %add3A_155 {strides = array<i32>} : memref<512xi32, #tpu.memory_space<vmem>>, vector<16xi32>,
    %get3A_158 = arith.constant 304 : index
    %get3A_159 = tpu.vector_load %arg7[%get3A_158] {strides = array<i32>} : memref<512xi32, #tpu.memory_space<vmem>>, vector<16xi32>,
    %get3A_160 = arith.constant 304 : index
    %get3A_161 = tpu.vector_load %arg8[%get3A_160] {strides = array<i32>} : memref<512xi32, #tpu.memory_space<vmem>>, vector<16xi32>,
    %gather3A_162 = tpu.vector_load_idx %arg9[%get3A_159] : memref<64xi32, #tpu.memory_space<vmem>>[vector<16xi32>], vector<16xi32>,
    %add3A_163 = arith.addi %gather3A_162, %get3A_161 : vector<16xi32>
    %swap3A_164 = arith.constant 304 : index
    %swap3A_165 = tpu.vector_load %arg10[%swap3A_164] {strides = array<i32>} : memref<512xi32, #tpu.memory_space<vmem>>, vector<16xi32>,
    tpu.vector_store %arg10[%swap3A_164], %add3A_163 {strides = array<i32>} : memref<512xi32, #tpu.memory_space<vmem>>, vector<16xi32>,
    %get3A_166 = arith.constant 320 : index
    %get3A_167 = tpu.vector_load %arg7[%get3A_166] {strides = array<i32>} : memref<512xi32, #tpu.memory_space<vmem>>, vector<16xi32>,
    %get3A_168 = arith.constant 320 : index
    %get3A_169 = tpu.vector_load %arg8[%get3A_168] {strides = array<i32>} : memref<512xi32, #tpu.memory_space<vmem>>, vector<16xi32>,
    %gather3A_170 = tpu.vector_load_idx %arg9[%get3A_167] : memref<64xi32, #tpu.memory_space<vmem>>[vector<16xi32>], vector<16xi32>,
    %add3A_171 = arith.addi %gather3A_170, %get3A_169 : vector<16xi32>
    %swap3A_172 = arith.constant 320 : index
    %swap3A_173 = tpu.vector_load %arg10[%swap3A_172] {strides = array<i32>} : memref<512xi32, #tpu.memory_space<vmem>>, vector<16xi32>,
    tpu.vector_store %arg10[%swap3A_172], %add3A_171 {strides = array<i32>} : memref<512xi32, #tpu.memory_space<vmem>>, vector<16xi32>,
    %get3A_174 = arith.constant 336 : index
    %get3A_175 = tpu.vector_load %arg7[%get3A_174] {strides = array<i32>} : memref<512xi32, #tpu.memory_space<vmem>>, vector<16xi32>,
    %get3A_176 = arith.constant 336 : index
    %get3A_177 = tpu.vector_load %arg8[%get3A_176] {strides = array<i32>} : memref<512xi32, #tpu.memory_space<vmem>>, vector<16xi32>,
    %gather3A_178 = tpu.vector_load_idx %arg9[%get3A_175] : memref<64xi32, #tpu.memory_space<vmem>>[vector<16xi32>], vector<16xi32>,
    %add3A_179 = arith.addi %gather3A_178, %get3A_177 : vector<16xi32>
    %swap3A_180 = arith.constant 336 : index
    %swap3A_181 = tpu.vector_load %arg10[%swap3A_180] {strides = array<i32>} : memref<512xi32, #tpu.memory_space<vmem>>, vector<16xi32>,
    tpu.vector_store %arg10[%swap3A_180], %add3A_179 {strides = array<i32>} : memref<512xi32, #tpu.memory_space<vmem>>, vector<16xi32>,
    %get3A_182 = arith.constant 352 : index
    %get3A_183 = tpu.vector_load %arg7[%get3A_182] {strides = array<i32>} : memref<512xi32, #tpu.memory_space<vmem>>, vector<16xi32>,
    %get3A_184 = arith.constant 352 : index
    %get3A_185 = tpu.vector_load %arg8[%get3A_184] {strides = array<i32>} : memref<512xi32, #tpu.memory_space<vmem>>, vector<16xi32>,
    %gather3A_186 = tpu.vector_load_idx %arg9[%get3A_183] : memref<64xi32, #tpu.memory_space<vmem>>[vector<16xi32>], vector<16xi32>,
    %add3A_187 = arith.addi %gather3A_186, %get3A_185 : vector<16xi32>
    %swap3A_188 = arith.constant 352 : index
    %swap3A_189 = tpu.vector_load %arg10[%swap3A_188] {strides = array<i32>} : memref<512xi32, #tpu.memory_space<vmem>>, vector<16xi32>,
    tpu.vector_store %arg10[%swap3A_188], %add3A_187 {strides = array<i32>} : memref<512xi32, #tpu.memory_space<vmem>>, vector<16xi32>,
    %get3A_190 = arith.constant 368 : index
    %get3A_191 = tpu.vector_load %arg7[%get3A_190] {strides = array<i32>} : memref<512xi32, #tpu.memory_space<vmem>>, vector<16xi32>,
    %get3A_192 = arith.constant 368 : index
    %get3A_193 = tpu.vector_load %arg8[%get3A_192] {strides = array<i32>} : memref<512xi32, #tpu.memory_space<vmem>>, vector<16xi32>,
    %gather3A_194 = tpu.vector_load_idx %arg9[%get3A_191] : memref<64xi32, #tpu.memory_space<vmem>>[vector<16xi32>], vector<16xi32>,
    %add3A_195 = arith.addi %gather3A_194, %get3A_193 : vector<16xi32>
    %swap3A_196 = arith.constant 368 : index
    %swap3A_197 = tpu.vector_load %arg10[%swap3A_196] {strides = array<i32>} : memref<512xi32, #tpu.memory_space<vmem>>, vector<16xi32>,
    tpu.vector_store %arg10[%swap3A_196], %add3A_195 {strides = array<i32>} : memref<512xi32, #tpu.memory_space<vmem>>, vector<16xi32>,
    %get3A_198 = arith.constant 384 : index
    %get3A_199 = tpu.vector_load %arg7[%get3A_198] {strides = array<i32>} : memref<512xi32, #tpu.memory_space<vmem>>, vector<16xi32>,
    %get3A_200 = arith.constant 384 : index
    %get3A_201 = tpu.vector_load %arg8[%get3A_200] {strides = array<i32>} : memref<512xi32, #tpu.memory_space<vmem>>, vector<16xi32>,
    %gather3A_202 = tpu.vector_load_idx %arg9[%get3A_199] : memref<64xi32, #tpu.memory_space<vmem>>[vector<16xi32>], vector<16xi32>,
    %add3A_203 = arith.addi %gather3A_202, %get3A_201 : vector<16xi32>
    %swap3A_204 = arith.constant 384 : index
    %swap3A_205 = tpu.vector_load %arg10[%swap3A_204] {strides = array<i32>} : memref<512xi32, #tpu.memory_space<vmem>>, vector<16xi32>,
    tpu.vector_store %arg10[%swap3A_204], %add3A_203 {strides = array<i32>} : memref<512xi32, #tpu.memory_space<vmem>>, vector<16xi32>,
    %get3A_206 = arith.constant 400 : index
    %get3A_207 = tpu.vector_load %arg7[%get3A_206] {strides = array<i32>} : memref<512xi32, #tpu.memory_space<vmem>>, vector<16xi32>,
    %get3A_208 = arith.constant 400 : index
    %get3A_209 = tpu.vector_load %arg8[%get3A_208] {strides = array<i32>} : memref<512xi32, #tpu.memory_space<vmem>>, vector<16xi32>,
    %gather3A_210 = tpu.vector_load_idx %arg9[%get3A_207] : memref<64xi32, #tpu.memory_space<vmem>>[vector<16xi32>], vector<16xi32>,
    %add3A_211 = arith.addi %gather3A_210, %get3A_209 : vector<16xi32>
    %swap3A_212 = arith.constant 400 : index
    %swap3A_213 = tpu.vector_load %arg10[%swap3A_212] {strides = array<i32>} : memref<512xi32, #tpu.memory_space<vmem>>, vector<16xi32>,
    tpu.vector_store %arg10[%swap3A_212], %add3A_211 {strides = array<i32>} : memref<512xi32, #tpu.memory_space<vmem>>, vector<16xi32>,
    %get3A_214 = arith.constant 416 : index
    %get3A_215 = tpu.vector_load %arg7[%get3A_214] {strides = array<i32>} : memref<512xi32, #tpu.memory_space<vmem>>, vector<16xi32>,
    %get3A_216 = arith.constant 416 : index
    %get3A_217 = tpu.vector_load %arg8[%get3A_216] {strides = array<i32>} : memref<512xi32, #tpu.memory_space<vmem>>, vector<16xi32>,
    %gather3A_218 = tpu.vector_load_idx %arg9[%get3A_215] : memref<64xi32, #tpu.memory_space<vmem>>[vector<16xi32>], vector<16xi32>,
    %add3A_219 = arith.addi %gather3A_218, %get3A_217 : vector<16xi32>
    %swap3A_220 = arith.constant 416 : index
    %swap3A_221 = tpu.vector_load %arg10[%swap3A_220] {strides = array<i32>} : memref<512xi32, #tpu.memory_space<vmem>>, vector<16xi32>,
    tpu.vector_store %arg10[%swap3A_220], %add3A_219 {strides = array<i32>} : memref<512xi32, #tpu.memory_space<vmem>>, vector<16xi32>,
    %get3A_222 = arith.constant 432 : index
    %get3A_223 = tpu.vector_load %arg7[%get3A_222] {strides = array<i32>} : memref<512xi32, #tpu.memory_space<vmem>>, vector<16xi32>,
    %get3A_224 = arith.constant 432 : index
    %get3A_225 = tpu.vector_load %arg8[%get3A_224] {strides = array<i32>} : memref<512xi32, #tpu.memory_space<vmem>>, vector<16xi32>,
    %gather3A_226 = tpu.vector_load_idx %arg9[%get3A_223] : memref<64xi32, #tpu.memory_space<vmem>>[vector<16xi32>], vector<16xi32>,
    %add3A_227 = arith.addi %gather3A_226, %get3A_225 : vector<16xi32>
    %swap3A_228 = arith.constant 432 : index
    %swap3A_229 = tpu.vector_load %arg10[%swap3A_228] {strides = array<i32>} : memref<512xi32, #tpu.memory_space<vmem>>, vector<16xi32>,
    tpu.vector_store %arg10[%swap3A_228], %add3A_227 {strides = array<i32>} : memref<512xi32, #tpu.memory_space<vmem>>, vector<16xi32>,
    %get3A_230 = arith.constant 448 : index
    %get3A_231 = tpu.vector_load %arg7[%get3A_230] {strides = array<i32>} : memref<512xi32, #tpu.memory_space<vmem>>, vector<16xi32>,
    %get3A_232 = arith.constant 448 : index
    %get3A_233 = tpu.vector_load %arg8[%get3A_232] {strides = array<i32>} : memref<512xi32, #tpu.memory_space<vmem>>, vector<16xi32>,
    %gather3A_234 = tpu.vector_load_idx %arg9[%get3A_231] : memref<64xi32, #tpu.memory_space<vmem>>[vector<16xi32>], vector<16xi32>,
    %add3A_235 = arith.addi %gather3A_234, %get3A_233 : vector<16xi32>
    %swap3A_236 = arith.constant 448 : index
    %swap3A_237 = tpu.vector_load %arg10[%swap3A_236] {strides = array<i32>} : memref<512xi32, #tpu.memory_space<vmem>>, vector<16xi32>,
    tpu.vector_store %arg10[%swap3A_236], %add3A_235 {strides = array<i32>} : memref<512xi32, #tpu.memory_space<vmem>>, vector<16xi32>,
    %get3A_238 = arith.constant 464 : index
    %get3A_239 = tpu.vector_load %arg7[%get3A_238] {strides = array<i32>} : memref<512xi32, #tpu.memory_space<vmem>>, vector<16xi32>,
    %get3A_240 = arith.constant 464 : index
    %get3A_241 = tpu.vector_load %arg8[%get3A_240] {strides = array<i32>} : memref<512xi32, #tpu.memory_space<vmem>>, vector<16xi32>,
    %gather3A_242 = tpu.vector_load_idx %arg9[%get3A_239] : memref<64xi32, #tpu.memory_space<vmem>>[vector<16xi32>], vector<16xi32>,
    %add3A_243 = arith.addi %gather3A_242, %get3A_241 : vector<16xi32>
    %swap3A_244 = arith.constant 464 : index
    %swap3A_245 = tpu.vector_load %arg10[%swap3A_244] {strides = array<i32>} : memref<512xi32, #tpu.memory_space<vmem>>, vector<16xi32>,
    tpu.vector_store %arg10[%swap3A_244], %add3A_243 {strides = array<i32>} : memref<512xi32, #tpu.memory_space<vmem>>, vector<16xi32>,
    %get3A_246 = arith.constant 480 : index
    %get3A_247 = tpu.vector_load %arg7[%get3A_246] {strides = array<i32>} : memref<512xi32, #tpu.memory_space<vmem>>, vector<16xi32>,
    %get3A_248 = arith.constant 480 : index
    %get3A_249 = tpu.vector_load %arg8[%get3A_248] {strides = array<i32>} : memref<512xi32, #tpu.memory_space<vmem>>, vector<16xi32>,
    %gather3A_250 = tpu.vector_load_idx %arg9[%get3A_247] : memref<64xi32, #tpu.memory_space<vmem>>[vector<16xi32>], vector<16xi32>,
    %add3A_251 = arith.addi %gather3A_250, %get3A_249 : vector<16xi32>
    %swap3A_252 = arith.constant 480 : index
    %swap3A_253 = tpu.vector_load %arg10[%swap3A_252] {strides = array<i32>} : memref<512xi32, #tpu.memory_space<vmem>>, vector<16xi32>,
    tpu.vector_store %arg10[%swap3A_252], %add3A_251 {strides = array<i32>} : memref<512xi32, #tpu.memory_space<vmem>>, vector<16xi32>,
    %get3A_254 = arith.constant 496 : index
    %get3A_255 = tpu.vector_load %arg7[%get3A_254] {strides = array<i32>} : memref<512xi32, #tpu.memory_space<vmem>>, vector<16xi32>,
    %get3A_256 = arith.constant 496 : index
    %get3A_257 = tpu.vector_load %arg8[%get3A_256] {strides = array<i32>} : memref<512xi32, #tpu.memory_space<vmem>>, vector<16xi32>,
    %gather3A_258 = tpu.vector_load_idx %arg9[%get3A_255] : memref<64xi32, #tpu.memory_space<vmem>>[vector<16xi32>], vector<16xi32>,
    %add3A_259 = arith.addi %gather3A_258, %get3A_257 : vector<16xi32>
    %swap3A_260 = arith.constant 496 : index
    %swap3A_261 = tpu.vector_load %arg10[%swap3A_260] {strides = array<i32>} : memref<512xi32, #tpu.memory_space<vmem>>, vector<16xi32>,
    tpu.vector_store %arg10[%swap3A_260], %add3A_259 {strides = array<i32>} : memref<512xi32, #tpu.memory_space<vmem>>, vector<16xi32>,
    %dma_start3A_262 = tpu.memref_slice %arg5[%mul3A_2] : memref<16384xi32, #tpu.memory_space<hbm>> -> memref<512xi32, #tpu.memory_space<hbm>>
    %dma_start3A_263 = tpu.memref_slice %arg5[%mul3A_2] : memref<16384xi32, #tpu.memory_space<hbm>> -> memref<512xi32, #tpu.memory_space<hbm>>
    tpu.enqueue_dma source(%arg10 : memref<512xi32, #tpu.memory_space<vmem>>) target(%dma_start3A_263 : memref<512xi32, #tpu.memory_space<hbm>>) target_semaphore(%arg14 : memref<!tpu.dma_semaphore, #tpu.memory_space<semaphore_mem>>)
    %eq3A = arith.constant 0 : i32
    %eq3A_264 = arith.cmpi eq, %arg1, %eq3A : i32
    %convert_element_type3A = arith.extui %eq3A_264 : i1 to i32
    %cond3A = arith.constant 0 : i32
    %cond3A_265 = arith.cmpi ne, %convert_element_type3A, %cond3A : i32
    scf.if %cond3A_265 {
      tpu.enqueue_dma source(%arg2 : memref<16384xi32, #tpu.memory_space<hbm>>) target(%arg11 : memref<16384xi32, #tpu.memory_space<vmem>>) target_semaphore(%arg14 : memref<!tpu.dma_semaphore, #tpu.memory_space<semaphore_mem>>)
      tpu.enqueue_dma source(%arg3 : memref<16384xi32, #tpu.memory_space<hbm>>) target(%arg12 : memref<16384xi32, #tpu.memory_space<vmem>>) target_semaphore(%arg14 : memref<!tpu.dma_semaphore, #tpu.memory_space<semaphore_mem>>)
      tpu.wait_dma2 semaphore(%arg14 : memref<!tpu.dma_semaphore, #tpu.memory_space<semaphore_mem>>) src(%arg2 : memref<16384xi32, #tpu.memory_space<hbm>>) dst(%arg11 : memref<16384xi32, #tpu.memory_space<vmem>>)
      tpu.wait_dma2 semaphore(%arg14 : memref<!tpu.dma_semaphore, #tpu.memory_space<semaphore_mem>>) src(%arg3 : memref<16384xi32, #tpu.memory_space<hbm>>) dst(%arg12 : memref<16384xi32, #tpu.memory_space<vmem>>)
      %mul3A_268 = arith.constant 8192 : i32
      %mul3A_269 = arith.muli %arg0, %mul3A_268 : i32
      %parallel_loop3A = arith.constant 0 : i32
      %parallel_loop3A_270 = arith.constant 1024 : i32
      %parallel_loop3A_271 = arith.constant 1 : i32
      scf.for %parallel_loop3A_272 = %parallel_loop3A to %parallel_loop3A_270 step %parallel_loop3A_271  : i32 {
        %parallel_loop3A_273 = arith.constant 16 : i32
        %parallel_loop3A_274 = arith.muli %parallel_loop3A_272, %parallel_loop3A_273 : i32
        %parallel_loop3A_275 = arith.index_cast %parallel_loop3A_274 : i32 to index
        %parallel_loop3A_276 = tpu.vector_load %arg11[%parallel_loop3A_275] {strides = array<i32>} : memref<16384xi32, #tpu.memory_space<vmem>>, vector<16xi32>,
        %parallel_loop3A_277 = arith.index_cast %parallel_loop3A_274 : i32 to index
        %parallel_loop3A_278 = tpu.vector_load %arg12[%parallel_loop3A_277] {strides = array<i32>} : memref<16384xi32, #tpu.memory_space<vmem>>, vector<16xi32>,
        %parallel_loop3A_279 = tpu.vector_load_idx %arg9[%parallel_loop3A_276] : memref<64xi32, #tpu.memory_space<vmem>>[vector<16xi32>], vector<16xi32>,
        %parallel_loop3A_280 = arith.addi %parallel_loop3A_279, %parallel_loop3A_278 : vector<16xi32>
        %parallel_loop3A_281 = arith.constant 16 : i32
        %parallel_loop3A_282 = arith.muli %parallel_loop3A_272, %parallel_loop3A_281 : i32
        %parallel_loop3A_283 = tpu.iota {dimensions = array<i32: 0>} : vector<16xi32>
        %parallel_loop3A_284 = vector.broadcast %parallel_loop3A_282 : i32 to vector<16xi32>
        %parallel_loop3A_285 = arith.addi %parallel_loop3A_284, %parallel_loop3A_283 : vector<16xi32>
        %parallel_loop3A_286 = arith.constant 1 : i32
        %parallel_loop3A_287 = vector.broadcast %parallel_loop3A_286 : i32 to vector<16xi32>
        %parallel_loop3A_288 = arith.shrsi %parallel_loop3A_285, %parallel_loop3A_287 : vector<16xi32>
        %parallel_loop3A_289 = vector.broadcast %mul3A_269 : i32 to vector<16xi32>
        %parallel_loop3A_290 = arith.cmpi sge, %parallel_loop3A_280, %parallel_loop3A_289 : vector<16xi32>
        %parallel_loop3A_291 = arith.constant 8192 : i32
        %parallel_loop3A_292 = arith.addi %mul3A_269, %parallel_loop3A_291 : i32
        %parallel_loop3A_293 = vector.broadcast %parallel_loop3A_292 : i32 to vector<16xi32>
        %parallel_loop3A_294 = arith.cmpi slt, %parallel_loop3A_280, %parallel_loop3A_293 : vector<16xi32>
        %parallel_loop3A_295 = arith.andi %parallel_loop3A_290, %parallel_loop3A_294 : vector<16xi1>
        %parallel_loop3A_296 = vector.broadcast %mul3A_269 : i32 to vector<16xi32>
        %parallel_loop3A_297 = arith.subi %parallel_loop3A_280, %parallel_loop3A_296 : vector<16xi32>
        tpu.vector_store_idx %arg13[%parallel_loop3A_297], %parallel_loop3A_288 masked %parallel_loop3A_295 : memref<8192xi32, #tpu.memory_space<vmem>>[vector<16xi32>], vector<16xi32>, vector<16xi1>
      } {sc.loop_unroll_factor = 8 : i64, sc.parallel_access}
      "tpu.region"() ({
        %run_scoped3A = tpu.sem_alloc : memref<!tpu.dma_semaphore, #tpu.memory_space<semaphore_mem>>
        %dma_start3A_272 = tpu.memref_slice %arg6[%mul3A_269] : memref<16384xi32, #tpu.memory_space<hbm>> -> memref<8192xi32, #tpu.memory_space<hbm>>
        %dma_start3A_273 = tpu.memref_slice %arg6[%mul3A_269] : memref<16384xi32, #tpu.memory_space<hbm>> -> memref<8192xi32, #tpu.memory_space<hbm>>
        tpu.enqueue_dma source(%arg13 : memref<8192xi32, #tpu.memory_space<vmem>>) target(%dma_start3A_273 : memref<8192xi32, #tpu.memory_space<hbm>>) target_semaphore(%run_scoped3A : memref<!tpu.dma_semaphore, #tpu.memory_space<semaphore_mem>>)
        %dma_wait3A_274 = tpu.memref_slice %arg6[%mul3A_269] : memref<16384xi32, #tpu.memory_space<hbm>> -> memref<8192xi32, #tpu.memory_space<hbm>>
        %dma_wait3A_275 = tpu.memref_slice %arg6[%mul3A_269] : memref<16384xi32, #tpu.memory_space<hbm>> -> memref<8192xi32, #tpu.memory_space<hbm>>
        tpu.wait_dma2 semaphore(%run_scoped3A : memref<!tpu.dma_semaphore, #tpu.memory_space<semaphore_mem>>) src(%arg13 : memref<8192xi32, #tpu.memory_space<vmem>>) dst(%dma_wait3A_275 : memref<8192xi32, #tpu.memory_space<hbm>>)
        tpu.yield
      }) : () -> ()
    } else {
    }
    %dma_wait3A_266 = tpu.memref_slice %arg5[%mul3A_2] : memref<16384xi32, #tpu.memory_space<hbm>> -> memref<512xi32, #tpu.memory_space<hbm>>
    %dma_wait3A_267 = tpu.memref_slice %arg5[%mul3A_2] : memref<16384xi32, #tpu.memory_space<hbm>> -> memref<512xi32, #tpu.memory_space<hbm>>
    tpu.wait_dma2 semaphore(%arg14 : memref<!tpu.dma_semaphore, #tpu.memory_space<semaphore_mem>>) src(%arg10 : memref<512xi32, #tpu.memory_space<vmem>>) dst(%dma_wait3A_267 : memref<512xi32, #tpu.memory_space<hbm>>)
    return
  }
}

module attributes {stable_mosaic.version = 14 : i64} {
  func.func @_gate_tc_body(%arg0: i32, %arg1: memref<512x4096xf32, #tpu.memory_space<vmem>>, %arg2: memref<4096x64xf32, #tpu.memory_space<vmem>>, %arg3: memref<512x512xbf16, #tpu.memory_space<vmem>>, %arg4: memref<512x64xf32, #tpu.memory_space<vmem>>, %arg5: memref<512x2xf32, #tpu.memory_space<vmem>>, %arg6: memref<512x2xi32, #tpu.memory_space<vmem>>, %arg7: memref<512x2xi32, #tpu.memory_space<vmem>>, %arg8: memref<64xi32, #tpu.memory_space<vmem>>, %arg9: memref<64xi32, #tpu.memory_space<vmem>>, %arg10: memref<1x64xf32, #tpu.memory_space<vmem>>) attributes {dimension_semantics = [#tpu.dimension_semantics<arbitrary>], iteration_bounds = array<i64: 16>, scalar_prefetch = 0 : i64, scratch_operands = 1 : i64, tpu.core_type = #tpu.core_type<tc>, window_params = [{transform_indices = @transform_0, window_bounds = array<i64: 512, 4096>}, {pipeline_mode = #tpu.pipeline_mode<synchronous>, transform_indices = @transform_1, window_bounds = array<i64: 4096, 64>}, {pipeline_mode = #tpu.pipeline_mode<synchronous>, transform_indices = @transform_2, window_bounds = array<i64: 512, 512>}, {transform_indices = @transform_3, window_bounds = array<i64: 512, 64>}, {transform_indices = @transform_4, window_bounds = array<i64: 512, 2>}, {transform_indices = @transform_5, window_bounds = array<i64: 512, 2>}, {transform_indices = @transform_6, window_bounds = array<i64: 512, 2>}, {pipeline_mode = #tpu.pipeline_mode<synchronous>, transform_indices = @transform_7, window_bounds = array<i64: 64>}, {pipeline_mode = #tpu.pipeline_mode<synchronous>, transform_indices = @transform_8, window_bounds = array<i64: 64>}]} {
    %eq3A = arith.constant 0 : i32
    %eq3A_0 = arith.cmpi eq, %arg0, %eq3A : i32
    %convert_element_type3A = arith.extui %eq3A_0 : i1 to i32
    %cond3A = arith.constant 0 : i32
    %cond3A_1 = arith.cmpi ne, %convert_element_type3A, %cond3A : i32
    scf.if %cond3A_1 {
      %broadcast_in_dim3A_111 = arith.constant 0.000000e+00 : f32
      %broadcast_in_dim3A_112 = vector.broadcast %broadcast_in_dim3A_111 : f32 to vector<1x64xf32>
      %swap3A_113 = arith.constant 0 : index
      %swap3A_114 = arith.constant 0 : index
      %swap3A_115 = vector.load %arg10[%swap3A_113, %swap3A_114] : memref<1x64xf32, #tpu.memory_space<vmem>>, vector<1x64xf32>
      tpu.vector_store %arg10[%swap3A_113, %swap3A_114], %broadcast_in_dim3A_112 {strides = array<i32>} : memref<1x64xf32, #tpu.memory_space<vmem>>, vector<1x64xf32>,
    } else {
    }
    %get3A = arith.constant 0 : index
    %get3A_2 = arith.constant 0 : index
    %get3A_3 = vector.load %arg1[%get3A, %get3A_2] : memref<512x4096xf32, #tpu.memory_space<vmem>>, vector<512x4096xf32>
    %get3A_4 = arith.constant 0 : index
    %get3A_5 = arith.constant 0 : index
    %get3A_6 = vector.load %arg2[%get3A_4, %get3A_5] : memref<4096x64xf32, #tpu.memory_space<vmem>>, vector<4096x64xf32>
    %dot_general3A = arith.constant dense<0.000000e+00> : vector<512x64xf32>
    %dot_general3A_7 = tpu.matmul %get3A_3, %get3A_6, %dot_general3A {dimension_numbers = #tpu.dot_dimension_numbers<[1], [0], [0], [1], [0, 0, 1, 1], [], []>, transpose_lhs_hint = false} : vector<512x4096xf32>, vector<4096x64xf32>, vector<512x64xf32> -> vector<512x64xf32>
    %reduce_max3A = arith.constant dense<0xFF800000> : vector<512xf32>
    %reduce_max3A_8 = vector.multi_reduction <maximumf>, %dot_general3A_7, %reduce_max3A [1] : vector<512x64xf32> to vector<512xf32>
    %broadcast_in_dim3A = vector.shape_cast %reduce_max3A_8 : vector<512xf32> to vector<512x1xf32>
    %sub3A = vector.broadcast %broadcast_in_dim3A : vector<512x1xf32> to vector<512x64xf32>
    %sub3A_9 = arith.subf %dot_general3A_7, %sub3A : vector<512x64xf32>
    %exp3A = math.exp %sub3A_9 : vector<512x64xf32>
    %reduce_sum3A = arith.constant dense<0.000000e+00> : vector<512xf32>
    %reduce_sum3A_10 = vector.multi_reduction <add>, %exp3A, %reduce_sum3A [1] : vector<512x64xf32> to vector<512xf32>
    %broadcast_in_dim3A_11 = vector.shape_cast %reduce_sum3A_10 : vector<512xf32> to vector<512x1xf32>
    %div3A = vector.broadcast %broadcast_in_dim3A_11 : vector<512x1xf32> to vector<512x64xf32>
    %div3A_12 = arith.divf %exp3A, %div3A : vector<512x64xf32>
    %swap3A = arith.constant 0 : index
    %swap3A_13 = arith.constant 0 : index
    %swap3A_14 = vector.load %arg4[%swap3A, %swap3A_13] : memref<512x64xf32, #tpu.memory_space<vmem>>, vector<512x64xf32>
    tpu.vector_store %arg4[%swap3A, %swap3A_13], %div3A_12 {strides = array<i32>} : memref<512x64xf32, #tpu.memory_space<vmem>>, vector<512x64xf32>,
    %iota3A = tpu.iota {dimensions = array<i32: 1>} : vector<512x64xi32>
    %eq3A_15 = vector.broadcast %broadcast_in_dim3A : vector<512x1xf32> to vector<512x64xf32>
    %eq3A_16 = arith.cmpf oeq, %dot_general3A_7, %eq3A_15 : vector<512x64xf32>
    %jit3A = arith.constant 64 : i32
    %broadcast_in_dim3A_17 = vector.broadcast %jit3A : i32 to vector<512x64xi32>
    %select_n3A = arith.select %eq3A_16, %iota3A, %broadcast_in_dim3A_17 : vector<512x64xi1>, vector<512x64xi32>
    %reduce_min3A = arith.constant dense<2147483647> : vector<512xi32>
    %reduce_min3A_18 = vector.multi_reduction <minsi>, %select_n3A, %reduce_min3A [1] : vector<512x64xi32> to vector<512xi32>
    %broadcast_in_dim3A_19 = vector.shape_cast %reduce_min3A_18 : vector<512xi32> to vector<512x1xi32>
    %eq3A_20 = vector.broadcast %broadcast_in_dim3A_19 : vector<512x1xi32> to vector<512x64xi32>
    %eq3A_21 = arith.cmpi eq, %iota3A, %eq3A_20 : vector<512x64xi32>
    %jit3A_22 = arith.constant 0xFF800000 : f32
    %broadcast_in_dim3A_23 = vector.broadcast %jit3A_22 : f32 to vector<512x64xf32>
    %select_n3A_24 = arith.select %eq3A_21, %broadcast_in_dim3A_23, %dot_general3A_7 : vector<512x64xi1>, vector<512x64xf32>
    %reduce_max3A_25 = arith.constant dense<0xFF800000> : vector<512xf32>
    %reduce_max3A_26 = vector.multi_reduction <maximumf>, %select_n3A_24, %reduce_max3A_25 [1] : vector<512x64xf32> to vector<512xf32>
    %broadcast_in_dim3A_27 = vector.shape_cast %reduce_max3A_26 : vector<512xf32> to vector<512x1xf32>
    %eq3A_28 = vector.broadcast %broadcast_in_dim3A_27 : vector<512x1xf32> to vector<512x64xf32>
    %eq3A_29 = arith.cmpf oeq, %select_n3A_24, %eq3A_28 : vector<512x64xf32>
    %jit3A_30 = arith.constant 64 : i32
    %broadcast_in_dim3A_31 = vector.broadcast %jit3A_30 : i32 to vector<512x64xi32>
    %select_n3A_32 = arith.select %eq3A_29, %iota3A, %broadcast_in_dim3A_31 : vector<512x64xi1>, vector<512x64xi32>
    %reduce_min3A_33 = arith.constant dense<2147483647> : vector<512xi32>
    %reduce_min3A_34 = vector.multi_reduction <minsi>, %select_n3A_32, %reduce_min3A_33 [1] : vector<512x64xi32> to vector<512xi32>
    %broadcast_in_dim3A_35 = vector.shape_cast %reduce_min3A_34 : vector<512xi32> to vector<512x1xi32>
    %eq3A_36 = vector.broadcast %broadcast_in_dim3A_35 : vector<512x1xi32> to vector<512x64xi32>
    %eq3A_37 = arith.cmpi eq, %iota3A, %eq3A_36 : vector<512x64xi32>
    %jit3A_38 = arith.constant 0.000000e+00 : f32
    %broadcast_in_dim3A_39 = vector.broadcast %jit3A_38 : f32 to vector<512x64xf32>
    %select_n3A_40 = arith.select %eq3A_21, %div3A_12, %broadcast_in_dim3A_39 : vector<512x64xi1>, vector<512x64xf32>
    %reduce_sum3A_41 = arith.constant dense<0.000000e+00> : vector<512xf32>
    %reduce_sum3A_42 = vector.multi_reduction <add>, %select_n3A_40, %reduce_sum3A_41 [1] : vector<512x64xf32> to vector<512xf32>
    %broadcast_in_dim3A_43 = vector.shape_cast %reduce_sum3A_42 : vector<512xf32> to vector<512x1xf32>
    %jit3A_44 = arith.constant 0.000000e+00 : f32
    %broadcast_in_dim3A_45 = vector.broadcast %jit3A_44 : f32 to vector<512x64xf32>
    %select_n3A_46 = arith.select %eq3A_37, %div3A_12, %broadcast_in_dim3A_45 : vector<512x64xi1>, vector<512x64xf32>
    %reduce_sum3A_47 = arith.constant dense<0.000000e+00> : vector<512xf32>
    %reduce_sum3A_48 = vector.multi_reduction <add>, %select_n3A_46, %reduce_sum3A_47 [1] : vector<512x64xf32> to vector<512xf32>
    %broadcast_in_dim3A_49 = vector.shape_cast %reduce_sum3A_48 : vector<512xf32> to vector<512x1xf32>
    %sub3A_50 = arith.subf %broadcast_in_dim3A_49, %broadcast_in_dim3A_43 : vector<512x1xf32>
    %exp3A_51 = math.exp %sub3A_50 : vector<512x1xf32>
    %add3A = arith.constant 1.000000e+00 : f32
    %add3A_52 = vector.broadcast %add3A : f32 to vector<512x1xf32>
    %add3A_53 = arith.addf %add3A_52, %exp3A_51 : vector<512x1xf32>
    %div3A_54 = arith.constant 1.000000e+00 : f32
    %div3A_55 = vector.broadcast %div3A_54 : f32 to vector<512x1xf32>
    %div3A_56 = arith.divf %div3A_55, %add3A_53 : vector<512x1xf32>
    %div3A_57 = arith.divf %exp3A_51, %add3A_53 : vector<512x1xf32>
    %concatenate3A = tpu.concatenate %div3A_56, %div3A_57 in 1 : vector<512x1xf32>, vector<512x1xf32> -> vector<512x2xf32>
    %swap3A_58 = arith.constant 0 : index
    %swap3A_59 = arith.constant 0 : index
    %swap3A_60 = vector.load %arg5[%swap3A_58, %swap3A_59] : memref<512x2xf32, #tpu.memory_space<vmem>>, vector<512x2xf32>
    tpu.vector_store %arg5[%swap3A_58, %swap3A_59], %concatenate3A {strides = array<i32>} : memref<512x2xf32, #tpu.memory_space<vmem>>, vector<512x2xf32>,
    %concatenate3A_61 = tpu.concatenate %broadcast_in_dim3A_19, %broadcast_in_dim3A_35 in 1 : vector<512x1xi32>, vector<512x1xi32> -> vector<512x2xi32>
    %swap3A_62 = arith.constant 0 : index
    %swap3A_63 = arith.constant 0 : index
    %swap3A_64 = vector.load %arg6[%swap3A_62, %swap3A_63] : memref<512x2xi32, #tpu.memory_space<vmem>>, vector<512x2xi32>
    tpu.vector_store %arg6[%swap3A_62, %swap3A_63], %concatenate3A_61 {strides = array<i32>} : memref<512x2xi32, #tpu.memory_space<vmem>>, vector<512x2xi32>,
    %or3A = arith.ori %eq3A_21, %eq3A_37 : vector<512x64xi1>
    %convert_element_type3A_65 = arith.extui %or3A : vector<512x64xi1> to vector<512x64xi32>
    %convert_element_type3A_66 = arith.sitofp %convert_element_type3A_65 : vector<512x64xi32> to vector<512x64xf32>
    %convert_element_type3A_67 = arith.truncf %convert_element_type3A_66 : vector<512x64xf32> to vector<512x64xbf16>
    %get3A_68 = arith.constant 0 : index
    %get3A_69 = arith.constant 0 : index
    %get3A_70 = vector.load %arg3[%get3A_68, %get3A_69] : memref<512x512xbf16, #tpu.memory_space<vmem>>, vector<512x512xbf16>
    %dot_general3A_71 = arith.constant dense<0.000000e+00> : vector<512x64xf32>
    %dot_general3A_72 = tpu.matmul %get3A_70, %convert_element_type3A_67, %dot_general3A_71 {dimension_numbers = #tpu.dot_dimension_numbers<[1], [0], [0], [1], [0, 0, 1, 1], [], []>, transpose_lhs_hint = false} : vector<512x512xbf16>, vector<512x64xbf16>, vector<512x64xf32> -> vector<512x64xf32>
    %get3A_73 = arith.constant 0 : index
    %get3A_74 = arith.constant 0 : index
    %get3A_75 = vector.load %arg10[%get3A_73, %get3A_74] : memref<1x64xf32, #tpu.memory_space<vmem>>, vector<1x64xf32>
    %add3A_76 = vector.broadcast %get3A_75 : vector<1x64xf32> to vector<512x64xf32>
    %add3A_77 = arith.addf %add3A_76, %dot_general3A_72 : vector<512x64xf32>
    %jit3A_78 = arith.constant 0.000000e+00 : f32
    %broadcast_in_dim3A_79 = vector.broadcast %jit3A_78 : f32 to vector<512x64xf32>
    %select_n3A_80 = arith.select %eq3A_21, %add3A_77, %broadcast_in_dim3A_79 : vector<512x64xi1>, vector<512x64xf32>
    %reduce_sum3A_81 = arith.constant dense<0.000000e+00> : vector<512xf32>
    %reduce_sum3A_82 = vector.multi_reduction <add>, %select_n3A_80, %reduce_sum3A_81 [1] : vector<512x64xf32> to vector<512xf32>
    %broadcast_in_dim3A_83 = vector.shape_cast %reduce_sum3A_82 : vector<512xf32> to vector<512x1xf32>
    %jit3A_84 = arith.constant 0.000000e+00 : f32
    %broadcast_in_dim3A_85 = vector.broadcast %jit3A_84 : f32 to vector<512x64xf32>
    %select_n3A_86 = arith.select %eq3A_37, %add3A_77, %broadcast_in_dim3A_85 : vector<512x64xi1>, vector<512x64xf32>
    %reduce_sum3A_87 = arith.constant dense<0.000000e+00> : vector<512xf32>
    %reduce_sum3A_88 = vector.multi_reduction <add>, %select_n3A_86, %reduce_sum3A_87 [1] : vector<512x64xf32> to vector<512xf32>
    %broadcast_in_dim3A_89 = vector.shape_cast %reduce_sum3A_88 : vector<512xf32> to vector<512x1xf32>
    %concatenate3A_90 = tpu.concatenate %broadcast_in_dim3A_83, %broadcast_in_dim3A_89 in 1 : vector<512x1xf32>, vector<512x1xf32> -> vector<512x2xf32>
    %convert_element_type3A_91 = arith.fptosi %concatenate3A_90 : vector<512x2xf32> to vector<512x2xi32>
    %swap3A_92 = arith.constant 0 : index
    %swap3A_93 = arith.constant 0 : index
    %swap3A_94 = vector.load %arg7[%swap3A_92, %swap3A_93] : memref<512x2xi32, #tpu.memory_space<vmem>>, vector<512x2xi32>
    tpu.vector_store %arg7[%swap3A_92, %swap3A_93], %convert_element_type3A_91 {strides = array<i32>} : memref<512x2xi32, #tpu.memory_space<vmem>>, vector<512x2xi32>,
    %get3A_95 = arith.constant 0 : index
    %get3A_96 = arith.constant 0 : index
    %get3A_97 = vector.load %arg10[%get3A_95, %get3A_96] : memref<1x64xf32, #tpu.memory_space<vmem>>, vector<1x64xf32>
    %convert_element_type3A_98 = arith.extf %convert_element_type3A_67 : vector<512x64xbf16> to vector<512x64xf32>
    %reduce_sum3A_99 = arith.constant dense<0.000000e+00> : vector<64xf32>
    %reduce_sum3A_100 = vector.multi_reduction <add>, %convert_element_type3A_98, %reduce_sum3A_99 [0] : vector<512x64xf32> to vector<64xf32>
    %broadcast_in_dim3A_101 = vector.shape_cast %reduce_sum3A_100 : vector<64xf32> to vector<1x64xf32>
    %add3A_102 = arith.addf %get3A_97, %broadcast_in_dim3A_101 : vector<1x64xf32>
    %swap3A_103 = arith.constant 0 : index
    %swap3A_104 = arith.constant 0 : index
    %swap3A_105 = vector.load %arg10[%swap3A_103, %swap3A_104] : memref<1x64xf32, #tpu.memory_space<vmem>>, vector<1x64xf32>
    tpu.vector_store %arg10[%swap3A_103, %swap3A_104], %add3A_102 {strides = array<i32>} : memref<1x64xf32, #tpu.memory_space<vmem>>, vector<1x64xf32>,
    %eq3A_106 = arith.constant 15 : i32
    %eq3A_107 = arith.cmpi eq, %arg0, %eq3A_106 : i32
    %convert_element_type3A_108 = arith.extui %eq3A_107 : i1 to i32
    %cond3A_109 = arith.constant 0 : i32
    %cond3A_110 = arith.cmpi ne, %convert_element_type3A_108, %cond3A_109 : i32
    scf.if %cond3A_110 {
      %convert_element_type3A_111 = arith.fptosi %add3A_102 : vector<1x64xf32> to vector<1x64xi32>
      %squeeze3A = vector.shape_cast %convert_element_type3A_111 : vector<1x64xi32> to vector<64xi32>
      %swap3A_112 = arith.constant 0 : index
      %swap3A_113 = vector.load %arg8[%swap3A_112] : memref<64xi32, #tpu.memory_space<vmem>>, vector<64xi32>
      tpu.vector_store %arg8[%swap3A_112], %squeeze3A {strides = array<i32>} : memref<64xi32, #tpu.memory_space<vmem>>, vector<64xi32>,
      %broadcast_in_dim3A_114 = arith.constant 0 : i32
      %broadcast_in_dim3A_115 = vector.broadcast %broadcast_in_dim3A_114 : i32 to vector<1x1xi32>
      %slice3A = vector.extract_strided_slice %convert_element_type3A_111 {offsets = [0, 0], sizes = [1, 63], strides = [1, 1]} : vector<1x64xi32> to vector<1x63xi32>
      %concatenate3A_116 = tpu.concatenate %broadcast_in_dim3A_115, %slice3A in 1 : vector<1x1xi32>, vector<1x63xi32> -> vector<1x64xi32>
      %add3A_117 = arith.addi %convert_element_type3A_111, %concatenate3A_116 : vector<1x64xi32>
      %broadcast_in_dim3A_118 = arith.constant 0 : i32
      %broadcast_in_dim3A_119 = vector.broadcast %broadcast_in_dim3A_118 : i32 to vector<1x2xi32>
      %slice3A_120 = vector.extract_strided_slice %add3A_117 {offsets = [0, 0], sizes = [1, 62], strides = [1, 1]} : vector<1x64xi32> to vector<1x62xi32>
      %concatenate3A_121 = tpu.concatenate %broadcast_in_dim3A_119, %slice3A_120 in 1 : vector<1x2xi32>, vector<1x62xi32> -> vector<1x64xi32>
      %add3A_122 = arith.addi %add3A_117, %concatenate3A_121 : vector<1x64xi32>
      %broadcast_in_dim3A_123 = arith.constant 0 : i32
      %broadcast_in_dim3A_124 = vector.broadcast %broadcast_in_dim3A_123 : i32 to vector<1x4xi32>
      %slice3A_125 = vector.extract_strided_slice %add3A_122 {offsets = [0, 0], sizes = [1, 60], strides = [1, 1]} : vector<1x64xi32> to vector<1x60xi32>
      %concatenate3A_126 = tpu.concatenate %broadcast_in_dim3A_124, %slice3A_125 in 1 : vector<1x4xi32>, vector<1x60xi32> -> vector<1x64xi32>
      %add3A_127 = arith.addi %add3A_122, %concatenate3A_126 : vector<1x64xi32>
      %broadcast_in_dim3A_128 = arith.constant 0 : i32
      %broadcast_in_dim3A_129 = vector.broadcast %broadcast_in_dim3A_128 : i32 to vector<1x8xi32>
      %slice3A_130 = vector.extract_strided_slice %add3A_127 {offsets = [0, 0], sizes = [1, 56], strides = [1, 1]} : vector<1x64xi32> to vector<1x56xi32>
      %concatenate3A_131 = tpu.concatenate %broadcast_in_dim3A_129, %slice3A_130 in 1 : vector<1x8xi32>, vector<1x56xi32> -> vector<1x64xi32>
      %add3A_132 = arith.addi %add3A_127, %concatenate3A_131 : vector<1x64xi32>
      %broadcast_in_dim3A_133 = arith.constant 0 : i32
      %broadcast_in_dim3A_134 = vector.broadcast %broadcast_in_dim3A_133 : i32 to vector<1x16xi32>
      %slice3A_135 = vector.extract_strided_slice %add3A_132 {offsets = [0, 0], sizes = [1, 48], strides = [1, 1]} : vector<1x64xi32> to vector<1x48xi32>
      %concatenate3A_136 = tpu.concatenate %broadcast_in_dim3A_134, %slice3A_135 in 1 : vector<1x16xi32>, vector<1x48xi32> -> vector<1x64xi32>
      %add3A_137 = arith.addi %add3A_132, %concatenate3A_136 : vector<1x64xi32>
      %broadcast_in_dim3A_138 = arith.constant 0 : i32
      %broadcast_in_dim3A_139 = vector.broadcast %broadcast_in_dim3A_138 : i32 to vector<1x32xi32>
      %slice3A_140 = vector.extract_strided_slice %add3A_137 {offsets = [0, 0], sizes = [1, 32], strides = [1, 1]} : vector<1x64xi32> to vector<1x32xi32>
      %concatenate3A_141 = tpu.concatenate %broadcast_in_dim3A_139, %slice3A_140 in 1 : vector<1x32xi32>, vector<1x32xi32> -> vector<1x64xi32>
      %add3A_142 = arith.addi %add3A_137, %concatenate3A_141 : vector<1x64xi32>
      %sub3A_143 = arith.subi %add3A_142, %convert_element_type3A_111 : vector<1x64xi32>
      %squeeze3A_144 = vector.shape_cast %sub3A_143 : vector<1x64xi32> to vector<64xi32>
      %swap3A_145 = arith.constant 0 : index
      %swap3A_146 = vector.load %arg9[%swap3A_145] : memref<64xi32, #tpu.memory_space<vmem>>, vector<64xi32>
      tpu.vector_store %arg9[%swap3A_145], %squeeze3A_144 {strides = array<i32>} : memref<64xi32, #tpu.memory_space<vmem>>, vector<64xi32>,
    } else {
    }
    return
  }
  func.func @transform_0(%arg0: i32) -> (i32, i32) {
    %c0_i32 = arith.constant 0 : i32
    %c0_i32_0 = arith.constant 0 : i32
    return %arg0, %c0_i32 : i32, i32
  }
  func.func @transform_1(%arg0: i32) -> (i32, i32) {
    %c0_i32 = arith.constant 0 : i32
    %c0_i32_0 = arith.constant 0 : i32
    %c0_i32_1 = arith.constant 0 : i32
    return %c0_i32, %c0_i32_0 : i32, i32
  }
  func.func @transform_2(%arg0: i32) -> (i32, i32) {
    %c0_i32 = arith.constant 0 : i32
    %c0_i32_0 = arith.constant 0 : i32
    %c0_i32_1 = arith.constant 0 : i32
    return %c0_i32, %c0_i32_0 : i32, i32
  }
  func.func @transform_3(%arg0: i32) -> (i32, i32) {
    %c0_i32 = arith.constant 0 : i32
    %c0_i32_0 = arith.constant 0 : i32
    return %arg0, %c0_i32 : i32, i32
  }
  func.func @transform_4(%arg0: i32) -> (i32, i32) {
    %c0_i32 = arith.constant 0 : i32
    %c0_i32_0 = arith.constant 0 : i32
    return %arg0, %c0_i32 : i32, i32
  }
  func.func @transform_5(%arg0: i32) -> (i32, i32) {
    %c0_i32 = arith.constant 0 : i32
    %c0_i32_0 = arith.constant 0 : i32
    return %arg0, %c0_i32 : i32, i32
  }
  func.func @transform_6(%arg0: i32) -> (i32, i32) {
    %c0_i32 = arith.constant 0 : i32
    %c0_i32_0 = arith.constant 0 : i32
    return %arg0, %c0_i32 : i32, i32
  }
  func.func @transform_7(%arg0: i32) -> i32 {
    %c0_i32 = arith.constant 0 : i32
    %c0_i32_0 = arith.constant 0 : i32
    return %c0_i32 : i32
  }
  func.func @transform_8(%arg0: i32) -> i32 {
    %c0_i32 = arith.constant 0 : i32
    %c0_i32_0 = arith.constant 0 : i32
    return %c0_i32 : i32
  }
}

</mosaic_0001>

<sc_bundles>
// kernel: kernel.4.cloned.1.call-start
scs
__scs_entry_jumppad:
0x0: {  	(pc) =	sbr.rel $0x88, $3  }
0x1: {  	(tag) =	ssettag $0x0;
	lr =	simm.s32 $0x1  }
0x2: {  	[smem:$0x3F9F] =	sst lr;
	_ =	strace $0xD0000000  }
0x3: {  	_ = 	snop  }
0x4: {  	_ = 	snop  }
0x5: {  	_ = 	snop  }
0x6: {  	_ = 	snop  }
0x7: {  	_ = 	snop  }
__scs_overlays_trampoline_lowered:
0x8: {  	[smem:$0x3FAE] =	sst s0  }
0x9: {  	[smem:$0x3FAF] =	sst s1  }
0xa: {  	[smem:$0x3FB0] =	sst s2  }
0xb: {  	[smem:$0x3FB1] =	sst s3  }
0xc: {  	[smem:$0x3FB2] =	sst s4  }
0xd: {  	[smem:$0x3FB3] =	sst s5  }
0xe: {  	[smem:$0x3FB4] =	sst s6  }
0xf: {  	[smem:$0x3FB5] =	sst s7  }
0x10: {  	[smem:$0x3FB6] =	sst s8  }
0x11: {  	[smem:$0x3FB7] =	sst s9;
	s0 =	simm.s32 @!p0 $0x0  }
0x12: {  	s1 =	sld [smem:$0x3F9D];
	s0 =	simm.s32 @p0 $0x1  }
0x13: {  	[smem:$0x3FB8] =	sst s0;
	s0 =	simm.s32 @!p1 $0x0  }
0x14: {  	s2 =	sld [smem:$0x3F9C];
	s0 =	simm.s32 @p1 $0x1  }
0x15: {  	[smem:$0x3FB9] =	sst s0;
	s0 =	simm.s32 @!p2 $0x0  }
0x16: {  	s3 =	sld [smem:$0x3FDB];
	s0 =	simm.s32 @p2 $0x1  }
0x17: {  	s4 =	simm.s32 $0x1BF5;
	[smem:$0x3FBB] =	sst s0  }
0x18: {  	s0 =	sld [smem:$0x3F9E];
	_ =	swait.ge [sflag:s4], $0x0  }
0x19: {  	s7 =	sld [smem:$0x3F9F]  }
0x1a: {  	s8 =	sadd.s32 $0xFFFFE003, lr  }
0x1b: {  	s9 =	sadd.s32 $0xFFFFFEF7, lr;
	s5 =	simm.s32 $0xFFFFFFFF;
	p2 =	slt.u32 s8, $0xFFFFF086  }
0x1c: {  	p1 =	slt.u32 s9, $0xF7A;
	s5 =	simm.s32 @!p2 $0x0  }
0x1d: {  	s5 =	simm.s32 @p1 $0x1;
	p0 =	seq.s32 s7, s2  }
0x1e: {  	s7 =	smul.u32 @!p0 $0xF7A, s2;
	p2 =	seq.s32 @!p0 s5, $0x0  }
0x1f: {  	s9 =	smul.u32 $0xF7A, s1;
	s8 =	simm.s32 @!p0 $0x1BF5;
	p2 =	por !p2, p0  }
0x20: {  	[sflag:s8] =	ssyncset.s32 @!p0 $0xFFFFF086;
	s6 =	sadd.s32 @!p0 s3, s7;
	s7 =	simm.s32 @!p0 $0x108  }
0x21: {  	s3 =	sadd.s32 s3, s9;
	s6 =	sadd.s32 @!p0 $0x88, s6;
	s7 =	simm.s32 @p2 $0x1082  }
0x22: {  	[simem:s7], [sflag:s8] =	dma.local @!p0 [hbm:s6], $0xF7A  }
0x23: {  	s9 =	sor.u32 $0xD0000000, s2;
	s6 =	simm.s32 $0x108;
	_ =	swait.ge @!p0 [sflag:s8], $0x0  }
0x24: {  	s3 =	sadd.s32 $0x88, s3;
	s6 =	simm.s32 @!p1 $0x1082;
	[sflag:s4] =	ssyncset.s32 $0xFFFFF086  }
0x25: {  	[simem:s6], [sflag:s4] =	dma.local [hbm:s3], $0xF7A  }
0x26: {  	[smem:$0x3F9F] =	sst s1;
	(tag) =	ssettag s2;
	_ =	strace s9  }
0x27: {  	s1 =	sld [smem:$0x3FAF]  }
0x28: {  	s2 =	sld [smem:$0x3FB0]  }
0x29: {  	s4 =	sld [smem:$0x3FB2]  }
0x2a: {  	p0 =	seq.s32 s5, $0x0;
	s5 =	sld [smem:$0x3FB3]  }
0x2b: {  	s6 =	sld [smem:$0x3FB4]  }
0x2c: {  	s7 =	sld [smem:$0x3FB5]  }
0x2d: {  	s3 =	simm.s32 $0x108;
	s8 =	sld [smem:$0x3FB6]  }
0x2e: {  	s3 =	simm.s32 @!p0 $0x1082;
	s9 =	sld [smem:$0x3FB7]  }
0x2f: {  	lr =	sadd.s32 s0, s3;
	s0 =	sld [smem:$0x3FAE]  }
0x30: {  	s3 =	sld [smem:$0x3FB1]  }
0x31: {  	[smem:$0x3FBA] =	sst s10  }
0x32: {  	s10 =	sld [smem:$0x3FB8];
	_ =	sdelay $0x3  }
0x33: {  	p0 =	seq.s32 s10, $0x1;
	s10 =	sld [smem:$0x3FBA];
	_ =	sdelay $0x3  }
0x34: {  	[smem:$0x3FBA] =	sst s10  }
0x35: {  	s10 =	sld [smem:$0x3FB9];
	_ =	sdelay $0x3  }
0x36: {  	p1 =	seq.s32 s10, $0x1;
	s10 =	sld [smem:$0x3FBA];
	_ =	sdelay $0x3  }
0x37: {  	[smem:$0x3FBA] =	sst s10  }
0x38: {  	s10 =	sld [smem:$0x3FBB]  }
0x39: {  	_ = 	snop;
	(pc) =	sbr.ind lr, $3  }
0x3a: {  	_ = 	snop  }
0x3b: {  	_ = 	snop  }
0x3c: {  	p2 =	seq.s32 s10, $0x1;
	s10 =	sld [smem:$0x3FBA]  }
0x3d: {  	_ =	shalt  }
0x3e: {  	_ =	shalt  }
0x3f: {  	_ =	shalt  }
0x40: {  	_ =	shalt  }
0x41: {  	_ =	shalt  }
0x42: {  	_ =	shalt  }
0x43: {  	_ =	shalt  }
0x44: {  	_ =	shalt  }
0x45: {  	_ =	shalt  }
0x46: {  	_ =	shalt  }
0x47: {  	_ =	shalt  }
0x48: {  	_ =	shalt  }
0x49: {  	_ =	shalt  }
0x4a: {  	_ =	shalt  }
0x4b: {  	_ =	shalt  }
0x4c: {  	_ =	shalt  }
0x4d: {  	_ =	shalt  }
0x4e: {  	_ =	shalt  }
0x4f: {  	_ =	shalt  }
0x50: {  	_ =	shalt  }
0x51: {  	_ =	shalt  }
0x52: {  	_ =	shalt  }
0x53: {  	_ =	shalt  }
0x54: {  	_ =	shalt  }
0x55: {  	_ =	shalt  }
0x56: {  	_ =	shalt  }
0x57: {  	_ =	shalt  }
0x58: {  	_ =	shalt  }
0x59: {  	_ =	shalt  }
0x5a: {  	_ =	shalt  }
0x5b: {  	_ =	shalt  }
0x5c: {  	_ =	shalt  }
0x5d: {  	_ =	shalt  }
0x5e: {  	_ =	shalt  }
0x5f: {  	_ =	shalt  }
0x60: {  	_ =	shalt  }
0x61: {  	_ =	shalt  }
0x62: {  	_ =	shalt  }
0x63: {  	_ =	shalt  }
0x64: {  	_ =	shalt  }
0x65: {  	_ =	shalt  }
0x66: {  	_ =	shalt  }
0x67: {  	_ =	shalt  }
0x68: {  	_ =	shalt  }
0x69: {  	_ =	shalt  }
0x6a: {  	_ =	shalt  }
0x6b: {  	_ =	shalt  }
0x6c: {  	_ =	shalt  }
0x6d: {  	_ =	shalt  }
0x6e: {  	_ =	shalt  }
0x6f: {  	_ =	shalt  }
0x70: {  	_ =	shalt  }
0x71: {  	_ =	shalt  }
0x72: {  	_ =	shalt  }
0x73: {  	_ =	shalt  }
0x74: {  	_ =	shalt  }
0x75: {  	_ =	shalt  }
0x76: {  	_ =	shalt  }
0x77: {  	_ =	shalt  }
0x78: {  	_ =	shalt  }
0x79: {  	_ =	shalt  }
0x7a: {  	_ =	shalt  }
0x7b: {  	_ =	shalt  }
0x7c: {  	_ =	shalt  }
0x7d: {  	_ =	shalt  }
0x7e: {  	_ =	shalt  }
0x7f: {  	_ =	shalt  }
0x80: {  	_ =	shalt  }
0x81: {  	_ =	shalt  }
0x82: {  	_ =	shalt  }
0x83: {  	_ =	shalt  }
0x84: {  	_ =	shalt  }
0x85: {  	_ =	shalt  }
0x86: {  	_ =	shalt  }
0x87: {  	_ =	shalt  }
.Lfunc_end0:
.L_simem_size_0:
called_computation_lowered:
.L_overlay_start_0:
0x88: {  	s2 =	sld [smem:$0x3FD9]  }
0x89: {  	s3 =	sld [smem:$0x3FFE];
	_ =	sdelay $0x1  }
0x8a: {  	s1 =	srdreg.scid  }
0x8b: {  	s0 =	sand.u32 $0x1, s1  }
0x8c: {  	s14 =	sshll.u32 s0, $0xA;
	s2 =	sadd.s32 s3, s2  }
0x8d: {  	s2 =	sadd.s32 s2, s14  }
0x8e: {  	[smem:$0x3FC6] =	sst s2  }
0x8f: {  	_ = 	snop  }
0x90: {  	s2 =	sld [smem:$0x3FD0];
	_ =	sdelay $0x2  }
0x91: {  	s15 =	simm.s32 $0xA;
	s4 =	simm.s32 $0x10  }
0x92: {  	[smem:s4], [sflag:s15] =	dma.local [hbm:s2], $0x1  }
0x93: {  	_ =	swait.eq [sflag:s15], $0x1  }
0x94: {  	[sflag:s15] =	ssyncset.done $0x0  }
0x95: {  	s16 =	sld [smem:$0x10];
	[sflag:s15] =	ssyncadd.s32 $0xFFFFFFFF  }
0x96: {  	s17 =	sld [smem:$0x11];
	(tm) =	ssettm $0x1  }
0x97: {  	s18 =	sld [smem:$0x3FFB];
	_ =	sdelay $0x3  }
0x98: {  	_ =	strace s18  }
0x99: {  	s4 =	sld [smem:$0x3FFC];
	_ =	sdelay $0x3  }
0x9a: {  	_ =	strace s4  }
0x9b: {  	s4 =	sld [smem:$0x3FFD];
	_ =	sdelay $0x3  }
0x9c: {  	_ =	strace s4  }
0x9d: {  	_ =	strace $0x8FFFFFFF  }
0x9e: {  	s19 =	sld [smem:$0x3FDB];
	_ =	sdelay $0x1  }
0x9f: {  	s5 =	simm.s32 $_scs_section_size  }
0xa0: {  	s6 =	simm.s32 $_size__tile_overlayer_lowered;
	s7 =	simm.s32 $_tile_overlayer_lowered  }
0xa1: {  	s22 =	simm.s32 $0x1BFF;
	s21 =	sshll.u32 s7, $0x1;
	s4 =	sadd.s32 s5, s19  }
0xa2: {  	s8 =	simm.s32 $0x0;
	s20 =	sshll.u32 s6, $0x1;
	s6 =	sadd.s32 s21, s4  }
0xa3: {  	[timem:s8], [sflag:s22] =	dma.local [hbm:s6], s20  }
0xa4: {  	_ =	swait.ge [sflag:s22], s20  }
0xa5: {  	s5 =	ssub.s32 $0x0, s20;
	[sflag:s22] =	ssyncset.done $0x0  }
0xa6: {  	[sflag:s22] =	ssyncadd.s32 s5;
	_ =	sdelay $0x1  }
0xa7: {  	s23 =	simm.s32 $0x1B8B  }
0xa8: {  	_ =	swait.ge [sflag:s23], $0x1  }
0xa9: {  	[sflag:s23] =	ssyncset.done $0x0  }
0xaa: {  	s25 =	simm.s32 $0x1B8E;
	s24 =	sld [smem:$0x3FFE];
	[sflag:s23] =	ssyncadd.s32 $0xFFFFFFFF  }
0xab: {  	s26 =	simm.s32 $execute0_lowered;
	[smem:$0x3FD2] =	sst s25  }
0xac: {  	s6 =	sshll.u32 s26, $0x1;
	_ =	strace $0x80000046;
	[dreg:$0x1] =	wrdreg $0xFFFFFFFF  }
0xad: {  	s28 =	simm.s32 $_size_execute0_lowered;
	s4 =	sadd.s32 s4, s6;
	[dreg:$0x0] =	wrdreg $0x0  }
0xae: {  	s6 =	sshll.u32 s28, $0x1;
	[dreg:$0x2] =	wrdreg s4  }
0xaf: {  	[dreg:$0x3] =	wrdreg s6  }
0xb0: {  	[dreg:$0x4] =	wrdreg $0xC0  }
0xb1: {  	_ =	task [dreg:s8], $0x5FFFF  }
0xb2: {  	[dreg:$0x1] =	wrdreg $0xFFFFFFFF  }
0xb3: {  	[dreg:$0x0] =	wrdreg $0x60  }
0xb4: {  	[dreg:$0x2] =	wrdreg s24  }
0xb5: {  	[dreg:$0x3] =	wrdreg s17  }
0xb6: {  	[dreg:$0x4] =	wrdreg s16  }
0xb7: {  	[dreg:$0x5] =	wrdreg $0x9  }
0xb8: {  	_ =	task.clear_ibuf [dreg:s8], $0x6FFFF;
	_ =	strace $0x90000046  }
0xb9: {  	s29 =	simm.s32 $0x9;
	_ =	strace $0x80000048  }
0xba: {  	_ =	swait.ge [sflag:s29], $0x1  }
0xbb: {  	[sflag:s29] =	ssyncadd.s32 $0xFFFFFFFF  }
0xbc: {  	_ =	strace $0x90000048  }
0xbd: {  	_ =	sfence  }
0xbe: {  	s30 =	sld [smem:$0x0];
	_ =	sdelay $0x2  }
0xbf: {  	s31 =	sshll.u32 s1, $0xD;
	s1 =	sshrl.u32 s1, $0x2  }
0xc0: {  	s3 =	sand.u32 $0x4000, s31;
	s1 =	sadd.s32 s1, s30  }
0xc1: {  	s0 =	sor.u32 s3, s0;
	s1 =	sshll.u32 s1, $0x11  }
0xc2: {  	s0 =	sor.u32 s1, s0  }
0xc3: {  	s0 =	sadd.s32 $0x8F2B, s0  }
0xc4: {  	[sflag:s0] =	ssyncadd.remote.s32 $0x1  }
0xc5: {  	_ =	sfence.sel $0xFFFF  }
0xc6: {  	[dreg:$0x0] =	wrdreg $0xFFFFFFFF;
	(pc) =	sbr.abs _section_cstart, $3  }
0xc7: {  	[dreg:$0x1] =	wrdreg $0xFFFFFFFF  }
0xc8: {  	_ =	task.clear_ibuf [dreg:s8], $0x2FFFF;
	_ =	strace $0x9FFFFFFF  }
0xc9: {  	(tm) =	ssettm $0x7FFFFFFF  }
tec
execute0_lowered:
.L_overlay_start_1:
0x0: {  	(tag) =	ssettag $0x1  }
0x1: {  	s4 =	rddreg [dreg:$0x0]  }
0x2: {  	s7 =	rddreg [dreg:$0x1]  }
0x3: {  	s8 =	rddreg [dreg:$0x2]  }
0x4: {  	s0 =	rddreg [dreg:$0x3];
	s1 =	simm.s32 $0x0  }
0x5: {  	s3 =	srdreg.scid;
	s10 =	stileid.u32;
	s14 =	simm.s32 $0x680  }
0x6: {  	s15 =	simm.s32 $0x4680;
	s18 =	simm.s32 $0x0;
	[smem:$0x7FF] =	sst s1  }
0x7: {  	s2 =	sadd.s32 $0xE00, s4;
	s9 =	sand.u32 $0x1, s3;
	s3 =	sadd.s32 $0x1600, s4  }
0x8: {  	s11 =	sshll.u32 s10, $0x7;
	s4 =	sadd.s32 $0xC00, s4;
	p0 =	sne.s32 s10, $0x0  }
0x9: {  	s10 =	simm.s32 $0x200;
	_ =	strace $0x80000047;
	s5 =	ssub.s32 $0x2, s9  }
0xa: {  	s12 =	sshll.u32 s9, $0x6;
	s16 =	sshll.u32 s9, $0xD;
	s9 =	sshll.u32 s9, $0xA  }
.Ltmp0:
0xb: {  	s6 =	sshrl.u32 s5, $0x1;
	s11 =	sor.u32 s12, s11;
	(pc) =	sbr.rel .LBB2_1-.Ltmp0, $4  }
0xc: {  	s17 =	sadd.s32 $0x2000, s16;
	s8 =	sadd.s32 s8, s9;
	s12 =	simm.s32 $0x1  }
0xd: {  	v0 =	vmov s16;
	s16 =	simm.s32 $0x8680;
	s13 =	ssub.s32 s5, s6;
	s5 =	sadd.s32 s2, s11  }
0xe: {  	s6 =	sadd.s32 s3, s11;
	s7 =	sadd.s32 s7, s11;
	s11 =	simm.s32 $0x400  }
0xf: {  	v2 =	vlaneseq.u32;
	v1 =	vmov s17;
	s17 =	simm.s32 $0x2;
	s9 =	smax.u32 s13, $0x1;
	s13 =	simm.s32 $0x480  }
.LBB2_5:
0x10: {  	s18 =	sadd.s32 $0x1, s18  }
0x11: {  	p1 =	sne.s32 s18, s9  }
.Ltmp1:
0x12: {  	_ = 	snop;
	(pc) =	sbr.rel @!p1 .LBB2_6-.Ltmp1, $4  }
0x13: {  	_ = 	snop  }
0x14: {  	_ =	swait.ge [sflag:s12], $0x200  }
0x15: {  	[sflag:s12] =	ssyncset.done $0x0  }
0x16: {  	[sflag:s12] =	ssyncadd.s32 $0xFFFFFE00  }
.LBB2_1:
0x17: {  	[tilespmem:s1], [sflag:$0x1] =	stream.linear.gather [hbm4b:s5+s1], $0x200, $0x38;
	[tilespmem:$0xA680] =	vst v63  }
0x18: {  	_ = 	snop  }
0x19: {  	[tilespmem:s10], [sflag:$0x1] =	stream.linear.gather [hbm4b:s6+s1], $0x200, $0x38;
	[tilespmem:$0xA680] =	vst v63  }
0x1a: {  	_ = 	snop  }
0x1b: {  	[tilespmem:s11], [sflag:$0x1] =	stream.linear.gather [hbm4b:s4+s1], $0x80, $0x38;
	[tilespmem:$0xA680] =	vst v63  }
0x1c: {  	_ =	swait.ge [sflag:s12], $0x200  }
0x1d: {  	[sflag:s12] =	ssyncset.done $0x0  }
0x1e: {  	[sflag:s12] =	ssyncadd.s32 $0xFFFFFE00  }
0x1f: {  	_ =	swait.ge [sflag:s12], $0x200  }
0x20: {  	[sflag:s12] =	ssyncset.done $0x0  }
0x21: {  	[sflag:s12] =	ssyncadd.s32 $0xFFFFFE00  }
0x22: {  	_ =	swait.ge [sflag:s12], $0x80  }
0x23: {  	[sflag:s12] =	ssyncset.done $0x0  }
0x24: {  	[sflag:s12] =	ssyncadd.s32 $0xFFFFFF80  }
0x25: {  	v3 =	vld [tilespmem:$0x0];
	_ =	sdelay $0x5  }
0x26: {  	v4 =	vld [tilespmem:$0x200]  }
0x27: {  	v5 =	vld [tilespmem:$0x10]  }
0x28: {  	v3 =	vld.idx.msk [tilespmem:v3+s11+$0x0], $0xffff;
	_ =	sdelay $0x4  }
0x29: {  	v19 =	vld [tilespmem:$0x210];
	v3 =	vadd.s32 v4, v3  }
0x2a: {  	[tilespmem:$0x480] =	vst v3;
	v3 =	vld [tilespmem:$0x20]  }
0x2b: {  	v5 =	vld.idx.msk [tilespmem:v5+s11+$0x0], $0xffff;
	_ =	sdelay $0x4  }
0x2c: {  	v20 =	vld [tilespmem:$0x220];
	v4 =	vadd.s32 v19, v5  }
0x2d: {  	v21 =	vld [tilespmem:$0x30];
	[tilespmem:$0x490] =	vst v4  }
0x2e: {  	v3 =	vld.idx.msk [tilespmem:v3+s11+$0x0], $0xffff;
	_ =	sdelay $0x4  }
0x2f: {  	v22 =	vld [tilespmem:$0x230];
	v3 =	vadd.s32 v20, v3  }
0x30: {  	[tilespmem:$0x4A0] =	vst v3;
	v3 =	vld [tilespmem:$0x40]  }
0x31: {  	v4 =	vld.idx.msk [tilespmem:v21+s11+$0x0], $0xffff;
	_ =	sdelay $0x4  }
0x32: {  	v23 =	vld [tilespmem:$0x240];
	v4 =	vadd.s32 v22, v4  }
0x33: {  	v24 =	vld [tilespmem:$0x50];
	[tilespmem:$0x4B0] =	vst v4  }
0x34: {  	v3 =	vld.idx.msk [tilespmem:v3+s11+$0x0], $0xffff;
	_ =	sdelay $0x4  }
0x35: {  	v25 =	vld [tilespmem:$0x250];
	v3 =	vadd.s32 v23, v3  }
0x36: {  	[tilespmem:$0x4C0] =	vst v3;
	v3 =	vld [tilespmem:$0x60]  }
0x37: {  	v4 =	vld.idx.msk [tilespmem:v24+s11+$0x0], $0xffff;
	_ =	sdelay $0x4  }
0x38: {  	v26 =	vld [tilespmem:$0x260];
	v4 =	vadd.s32 v25, v4  }
0x39: {  	v27 =	vld [tilespmem:$0x70];
	[tilespmem:$0x4D0] =	vst v4  }
0x3a: {  	v3 =	vld.idx.msk [tilespmem:v3+s11+$0x0], $0xffff;
	_ =	sdelay $0x4  }
0x3b: {  	v28 =	vld [tilespmem:$0x270];
	v3 =	vadd.s32 v26, v3  }
0x3c: {  	[tilespmem:$0x4E0] =	vst v3;
	v3 =	vld [tilespmem:$0x80]  }
0x3d: {  	v4 =	vld.idx.msk [tilespmem:v27+s11+$0x0], $0xffff;
	_ =	sdelay $0x4  }
0x3e: {  	v29 =	vld [tilespmem:$0x280];
	v4 =	vadd.s32 v28, v4  }
0x3f: {  	v30 =	vld [tilespmem:$0x90];
	[tilespmem:$0x4F0] =	vst v4  }
0x40: {  	v3 =	vld.idx.msk [tilespmem:v3+s11+$0x0], $0xffff;
	_ =	sdelay $0x4  }
0x41: {  	v31 =	vld [tilespmem:$0x290];
	v3 =	vadd.s32 v29, v3  }
0x42: {  	[tilespmem:$0x500] =	vst v3;
	v3 =	vld [tilespmem:$0xA0]  }
0x43: {  	v4 =	vld.idx.msk [tilespmem:v30+s11+$0x0], $0xffff;
	_ =	sdelay $0x4  }
0x44: {  	v32 =	vld [tilespmem:$0x2A0];
	v4 =	vadd.s32 v31, v4  }
0x45: {  	v33 =	vld [tilespmem:$0xB0];
	[tilespmem:$0x510] =	vst v4  }
0x46: {  	v3 =	vld.idx.msk [tilespmem:v3+s11+$0x0], $0xffff;
	_ =	sdelay $0x4  }
0x47: {  	v34 =	vld [tilespmem:$0x2B0];
	v3 =	vadd.s32 v32, v3  }
0x48: {  	[tilespmem:$0x520] =	vst v3;
	v3 =	vld [tilespmem:$0xC0]  }
0x49: {  	v4 =	vld.idx.msk [tilespmem:v33+s11+$0x0], $0xffff;
	_ =	sdelay $0x4  }
0x4a: {  	v35 =	vld [tilespmem:$0x2C0];
	v4 =	vadd.s32 v34, v4  }
0x4b: {  	v36 =	vld [tilespmem:$0xD0];
	[tilespmem:$0x530] =	vst v4  }
0x4c: {  	v3 =	vld.idx.msk [tilespmem:v3+s11+$0x0], $0xffff;
	_ =	sdelay $0x4  }
0x4d: {  	v37 =	vld [tilespmem:$0x2D0];
	v3 =	vadd.s32 v35, v3  }
0x4e: {  	[tilespmem:$0x540] =	vst v3;
	v3 =	vld [tilespmem:$0xE0]  }
0x4f: {  	v4 =	vld.idx.msk [tilespmem:v36+s11+$0x0], $0xffff;
	_ =	sdelay $0x4  }
0x50: {  	v38 =	vld [tilespmem:$0x2E0];
	v4 =	vadd.s32 v37, v4  }
0x51: {  	v39 =	vld [tilespmem:$0xF0];
	[tilespmem:$0x550] =	vst v4  }
0x52: {  	v3 =	vld.idx.msk [tilespmem:v3+s11+$0x0], $0xffff;
	_ =	sdelay $0x4  }
0x53: {  	v40 =	vld [tilespmem:$0x2F0];
	v3 =	vadd.s32 v38, v3  }
0x54: {  	[tilespmem:$0x560] =	vst v3;
	v3 =	vld [tilespmem:$0x100]  }
0x55: {  	v4 =	vld.idx.msk [tilespmem:v39+s11+$0x0], $0xffff;
	_ =	sdelay $0x4  }
0x56: {  	v41 =	vld [tilespmem:$0x300];
	v4 =	vadd.s32 v40, v4  }
0x57: {  	v42 =	vld [tilespmem:$0x110];
	[tilespmem:$0x570] =	vst v4  }
0x58: {  	v3 =	vld.idx.msk [tilespmem:v3+s11+$0x0], $0xffff;
	_ =	sdelay $0x4  }
0x59: {  	v43 =	vld [tilespmem:$0x310];
	v3 =	vadd.s32 v41, v3  }
0x5a: {  	[tilespmem:$0x580] =	vst v3;
	v3 =	vld [tilespmem:$0x120]  }
0x5b: {  	v4 =	vld.idx.msk [tilespmem:v42+s11+$0x0], $0xffff;
	_ =	sdelay $0x4  }
0x5c: {  	v44 =	vld [tilespmem:$0x320];
	v4 =	vadd.s32 v43, v4  }
0x5d: {  	v45 =	vld [tilespmem:$0x130];
	[tilespmem:$0x590] =	vst v4  }
0x5e: {  	v3 =	vld.idx.msk [tilespmem:v3+s11+$0x0], $0xffff;
	_ =	sdelay $0x4  }
0x5f: {  	v46 =	vld [tilespmem:$0x330];
	v3 =	vadd.s32 v44, v3  }
0x60: {  	[tilespmem:$0x5A0] =	vst v3;
	v3 =	vld [tilespmem:$0x140]  }
0x61: {  	v4 =	vld.idx.msk [tilespmem:v45+s11+$0x0], $0xffff;
	_ =	sdelay $0x4  }
0x62: {  	v47 =	vld [tilespmem:$0x340];
	v4 =	vadd.s32 v46, v4  }
0x63: {  	v48 =	vld [tilespmem:$0x150];
	[tilespmem:$0x5B0] =	vst v4  }
0x64: {  	v3 =	vld.idx.msk [tilespmem:v3+s11+$0x0], $0xffff;
	_ =	sdelay $0x4  }
0x65: {  	v49 =	vld [tilespmem:$0x350];
	v3 =	vadd.s32 v47, v3  }
0x66: {  	[tilespmem:$0x5C0] =	vst v3;
	v3 =	vld [tilespmem:$0x160]  }
0x67: {  	v4 =	vld.idx.msk [tilespmem:v48+s11+$0x0], $0xffff;
	_ =	sdelay $0x4  }
0x68: {  	v50 =	vld [tilespmem:$0x360];
	v4 =	vadd.s32 v49, v4  }
0x69: {  	v51 =	vld [tilespmem:$0x170];
	[tilespmem:$0x5D0] =	vst v4  }
0x6a: {  	v3 =	vld.idx.msk [tilespmem:v3+s11+$0x0], $0xffff;
	_ =	sdelay $0x4  }
0x6b: {  	v52 =	vld [tilespmem:$0x370];
	v3 =	vadd.s32 v50, v3  }
0x6c: {  	[tilespmem:$0x5E0] =	vst v3;
	v3 =	vld [tilespmem:$0x180]  }
0x6d: {  	v4 =	vld.idx.msk [tilespmem:v51+s11+$0x0], $0xffff;
	_ =	sdelay $0x4  }
0x6e: {  	v53 =	vld [tilespmem:$0x380];
	v4 =	vadd.s32 v52, v4  }
0x6f: {  	v54 =	vld [tilespmem:$0x190];
	[tilespmem:$0x5F0] =	vst v4  }
0x70: {  	v3 =	vld.idx.msk [tilespmem:v3+s11+$0x0], $0xffff;
	_ =	sdelay $0x4  }
0x71: {  	v55 =	vld [tilespmem:$0x390];
	v3 =	vadd.s32 v53, v3  }
0x72: {  	[tilespmem:$0x600] =	vst v3;
	v3 =	vld [tilespmem:$0x1A0]  }
0x73: {  	v4 =	vld.idx.msk [tilespmem:v54+s11+$0x0], $0xffff;
	_ =	sdelay $0x4  }
0x74: {  	v56 =	vld [tilespmem:$0x3A0];
	v4 =	vadd.s32 v55, v4  }
0x75: {  	v57 =	vld [tilespmem:$0x1B0];
	[tilespmem:$0x610] =	vst v4  }
0x76: {  	v3 =	vld.idx.msk [tilespmem:v3+s11+$0x0], $0xffff;
	_ =	sdelay $0x4  }
0x77: {  	v58 =	vld [tilespmem:$0x3B0];
	v3 =	vadd.s32 v56, v3  }
0x78: {  	[tilespmem:$0x620] =	vst v3;
	v3 =	vld [tilespmem:$0x1C0]  }
0x79: {  	v4 =	vld.idx.msk [tilespmem:v57+s11+$0x0], $0xffff;
	_ =	sdelay $0x4  }
0x7a: {  	v59 =	vld [tilespmem:$0x3C0];
	v4 =	vadd.s32 v58, v4  }
0x7b: {  	v60 =	vld [tilespmem:$0x1D0];
	[tilespmem:$0x630] =	vst v4  }
0x7c: {  	v3 =	vld.idx.msk [tilespmem:v3+s11+$0x0], $0xffff;
	_ =	sdelay $0x4  }
0x7d: {  	v61 =	vld [tilespmem:$0x3D0];
	v3 =	vadd.s32 v59, v3  }
0x7e: {  	[tilespmem:$0x640] =	vst v3;
	v3 =	vld [tilespmem:$0x1E0]  }
0x7f: {  	v4 =	vld.idx.msk [tilespmem:v60+s11+$0x0], $0xffff;
	_ =	sdelay $0x4  }
0x80: {  	v62 =	vld [tilespmem:$0x3E0];
	v4 =	vadd.s32 v61, v4  }
0x81: {  	v63 =	vld [tilespmem:$0x1F0];
	[tilespmem:$0x650] =	vst v4  }
0x82: {  	v3 =	vld.idx.msk [tilespmem:v3+s11+$0x0], $0xffff;
	_ =	sdelay $0x4  }
0x83: {  	v3 =	vadd.s32 v62, v3  }
0x84: {  	[tilespmem:$0x660] =	vst v3;
	v3 =	vld [tilespmem:$0x3F0]  }
0x85: {  	v4 =	vld.idx.msk [tilespmem:v63+s11+$0x0], $0xffff;
	_ =	sdelay $0x2  }
.Ltmp2:
0x86: {  	_ = 	snop;
	(pc) =	sbr.rel @p0 .LBB2_5-.Ltmp2, $4  }
0x87: {  	_ = 	snop  }
0x88: {  	v3 =	vadd.s32 v3, v4  }
0x89: {  	[tilespmem:$0x670] =	vst v3  }
0x8a: {  	[hbm4b:s7+s1] =	stream.linear.scatter [tilespmem:s13], [sflag:$0x1], $0x200, $0x38;
	[tilespmem:$0xA680] =	vst v63  }
0x8b: {  	[tilespmem:s14], [sflag:$0x1] =	stream.linear.gather [hbm4b:s2+s1], $0x4000, $0x38;
	[tilespmem:$0xA680] =	vst v63  }
0x8c: {  	_ = 	snop  }
0x8d: {  	[tilespmem:s15], [sflag:$0x1] =	stream.linear.gather [hbm4b:s3+s1], $0x4000, $0x38;
	[tilespmem:$0xA680] =	vst v63  }
0x8e: {  	_ =	swait.ge [sflag:s12], $0x4000  }
0x8f: {  	[sflag:s12] =	ssyncset.done $0x0  }
0x90: {  	[sflag:s12] =	ssyncadd.s32 $0xFFFFC000  }
0x91: {  	_ =	swait.ge [sflag:s12], $0x4000  }
0x92: {  	[sflag:s12] =	ssyncset.done $0x0  }
0x93: {  	s19 =	simm.s32 $0x6C0;
	[sflag:s12] =	ssyncadd.s32 $0xFFFFC000  }
0x94: {  	v3 =	vld [tilespmem:s19+$0x30]  }
0x95: {  	v4 =	vld [tilespmem:s19+$0xFFFFFFC0]  }
0x96: {  	v5 =	vld [tilespmem:s19+$0xFFFFFFD0]  }
0x97: {  	v6 =	vld [tilespmem:s19+$0xFFFFFFE0]  }
0x98: {  	v8 =	vld [tilespmem:s19+$0x0]  }
0x99: {  	v9 =	vld [tilespmem:s19+$0x10]  }
0x9a: {  	s31 =	simm.s32 $0x46C0;
	v10 =	vld [tilespmem:s19+$0x20]  }
0x9b: {  	v11 =	vld [tilespmem:s31+$0x30]  }
0x9c: {  	v13 =	vld [tilespmem:s31+$0xFFFFFFD0]  }
0x9d: {  	v14 =	vld [tilespmem:s31+$0xFFFFFFE0]  }
0x9e: {  	v18 =	vld [tilespmem:s31+$0x0]  }
0x9f: {  	v19 =	vld [tilespmem:s31+$0x10]  }
0xa0: {  	v21 =	vld [tilespmem:s31+$0x20]  }
0xa1: {  	v3 =	vld.idx.msk [tilespmem:v3+s11+$0x0], $0xffff  }
0xa2: {  	v5 =	vld.idx.msk [tilespmem:v5+s11+$0x0], $0xffff  }
0xa3: {  	v6 =	vld.idx.msk [tilespmem:v6+s11+$0x0], $0xffff  }
0xa4: {  	v8 =	vld.idx.msk [tilespmem:v8+s11+$0x0], $0xffff  }
0xa5: {  	v9 =	vld.idx.msk [tilespmem:v9+s11+$0x0], $0xffff  }
0xa6: {  	s20 =	simm.s32 $0x70;
	s21 =	simm.s32 $0x10;
	v10 =	vld.idx.msk [tilespmem:v10+s11+$0x0], $0xffff  }
0xa7: {  	s22 =	simm.s32 $0x20;
	s24 =	simm.s32 $0x0;
	v15 =	vor.u32 s20, v2;
	v16 =	vor.u32 s21, v2  }
0xa8: {  	v17 =	vor.u32 s22, v2;
	s22 =	simm.s32 $0x40;
	v30 =	vor.u32 s24, v2;
	v15 =	vshrl.u32 v15, $0x1;
	v7 =	vld [tilespmem:s19+$0xFFFFFFF0]  }
0xa9: {  	v20 =	vor.u32 s22, v2;
	v16 =	vshrl.u32 v16, $0x1;
	v17 =	vshrl.u32 v17, $0x1  }
0xaa: {  	v4 =	vld.idx.msk [tilespmem:v4+s11+$0x0], $0xffff;
	v3 =	vadd.s32 v11, v3;
	v5 =	vadd.s32 v13, v5;
	v6 =	vadd.s32 v14, v6  }
0xab: {  	v11 =	vld [tilespmem:s31+$0xFFFFFFC0];
	v8 =	vadd.s32 v18, v8;
	v9 =	vadd.s32 v19, v9;
	v10 =	vadd.s32 v21, v10  }
0xac: {  	vm0 =	vge.s32 v3, v0;
	v12 =	vsub.s32 v3, v0;
	vm1 =	vlt.s32 v3, v1  }
0xad: {  	s19 =	simm.s32 $0x4740;
	v3 =	vand.u32 $0x7F, v3;
	v22 =	vsub.s32 v5, v0;
	v19 =	vsub.s32 v8, v0  }
0xae: {  	v29 =	vld [tilespmem:s19+$0x30];
	v23 =	vsub.s32 v9, v0;
	vm5 =	vge.s32 v6, v0;
	vm6 =	vlt.s32 v6, v1  }
0xaf: {  	s23 =	simm.s32 $0x30;
	v63 =	vld [tilespmem:s19+$0x0];
	v24 =	vsub.s32 v10, v0;
	vm11 =	vge.s32 v8, v0;
	vm13 =	vlt.s32 v8, v1  }
0xb0: {  	v7 =	vld.idx.msk [tilespmem:v7+s11+$0x0], $0xffff;
	vm12 =	vge.s32 v9, v0;
	v4 =	vadd.s32 v11, v4;
	v11 =	vor.u32 s23, v2;
	s23 =	simm.s32 $0x740  }
0xb1: {  	vm14 =	vlt.s32 v9, v1;
	vm2 =	vge.s32 v10, v0;
	v12 =	vand.u32 $0xFFFFFF80, v12;
	v18 =	vld [tilespmem:s23+$0x30]  }
0xb2: {  	v8 =	vand.u32 $0x7F, v8;
	v9 =	vand.u32 $0x7F, v9;
	v3 =	vor.u32 v3, v12;
	v12 =	vld [tilespmem:s31+$0xFFFFFFF0]  }
0xb3: {  	vm3 =	vmand vm0, vm1;
	vm0 =	vge.s32 v5, v0;
	vm1 =	vlt.s32 v5, v1;
	v21 =	vld [tilespmem:s23+$0xFFFFFFC0]  }
0xb4: {  	v22 =	vand.u32 $0xFFFFFF80, v22;
	v19 =	vand.u32 $0xFFFFFF80, v19;
	v23 =	vand.u32 $0xFFFFFF80, v23;
	v25 =	vld [tilespmem:s23+$0xFFFFFFD0]  }
0xb5: {  	s26 =	simm.s32 $0x60;
	v5 =	vand.u32 $0x7F, v5;
	v24 =	vand.u32 $0xFFFFFF80, v24;
	vm6 =	vmand vm5, vm6;
	v26 =	vld [tilespmem:s23+$0xFFFFFFE0]  }
0xb6: {  	vm8 =	vmand vm0, vm1;
	v5 =	vor.u32 v5, v22;
	v22 =	vor.u32 s26, v2;
	v27 =	vld [tilespmem:s23+$0xFFFFFFF0]  }
0xb7: {  	vm1 =	vmand vm11, vm13;
	vm0 =	vmand vm12, vm14;
	vm4 =	vge.s32 v4, v0;
	v28 =	vld [tilespmem:s23+$0x0]  }
0xb8: {  	v13 =	vsub.s32 v4, v0;
	vm7 =	vlt.s32 v4, v1;
	v4 =	vand.u32 $0x7F, v4;
	v31 =	vld [tilespmem:s23+$0x10]  }
0xb9: {  	v62 =	vshrl.u32 v11, $0x1;
	v13 =	vand.u32 $0xFFFFFF80, v13;
	vm4 =	vmand vm4, vm7;
	v18 =	vld.idx.msk [tilespmem:v18+s11+$0x0], $0xffff  }
0xba: {  	v32 =	vld [tilespmem:s23+$0x20];
	v7 =	vadd.s32 v12, v7;
	v12 =	vsub.s32 v6, v0;
	v6 =	vand.u32 $0x7F, v6  }
0xbb: {  	v4 =	vor.u32 v4, v13;
	[tilespmem:v3+s16+$0x0] =	vst.idx.msk vm3, v15;
	v15 =	vld [tilespmem:s19+$0xFFFFFFD0];
	v14 =	vsub.s32 v7, v0;
	v12 =	vand.u32 $0xFFFFFF80, v12  }
0xbc: {  	vm9 =	vge.s32 v7, v0;
	vm10 =	vlt.s32 v7, v1;
	v7 =	vand.u32 $0x7F, v7;
	v21 =	vld.idx.msk [tilespmem:v21+s11+$0x0], $0xffff  }
0xbd: {  	v14 =	vand.u32 $0xFFFFFF80, v14;
	v6 =	vor.u32 v6, v12;
	vm5 =	vmand vm9, vm10;
	v25 =	vld.idx.msk [tilespmem:v25+s11+$0x0], $0xffff  }
0xbe: {  	v33 =	vor.u32 v7, v14;
	v7 =	vor.u32 v8, v19;
	v26 =	vld.idx.msk [tilespmem:v26+s11+$0x0], $0xffff;
	v8 =	vadd.s32 v29, v18  }
0xbf: {  	v19 =	vld.idx.msk [tilespmem:v27+s11+$0x0], $0xffff;
	vm14 =	vge.s32 v8, v0;
	vm15 =	vlt.s32 v8, v1;
	v12 =	vsub.s32 v8, v0  }
0xc0: {  	v18 =	vld [tilespmem:s19+$0xFFFFFFC0];
	v14 =	vand.u32 $0x7F, v8;
	vm9 =	vmand vm14, vm15;
	v12 =	vand.u32 $0xFFFFFF80, v12  }
0xc1: {  	s25 =	simm.s32 $0x50;
	v11 =	vshrl.u32 v22, $0x1;
	v8 =	vor.u32 v9, v23;
	v23 =	vld [tilespmem:s19+$0xFFFFFFE0];
	v14 =	vor.u32 v14, v12  }
0xc2: {  	vm7 =	vlt.s32 v10, v1;
	v10 =	vand.u32 $0x7F, v10;
	v13 =	vor.u32 s25, v2;
	v27 =	vld.idx.msk [tilespmem:v28+s11+$0x0], $0xffff  }
0xc3: {  	s20 =	simm.s32 $0xF0;
	vm2 =	vmand vm2, vm7;
	v3 =	vshrl.u32 v30, $0x1;
	[tilespmem:v6+s16+$0x0] =	vst.idx.msk vm6, v17;
	v17 =	vld.idx.msk [tilespmem:v31+s11+$0x0], $0xffff;
	v9 =	vor.u32 v10, v24  }
0xc4: {  	s31 =	simm.s32 $0xC0;
	[tilespmem:v5+s16+$0x0] =	vst.idx.msk vm8, v16;
	v10 =	vshrl.u32 v13, $0x1;
	v13 =	vor.u32 s20, v2;
	v12 =	vshrl.u32 v20, $0x1;
	v20 =	vld [tilespmem:s19+$0xFFFFFFF0]  }
0xc5: {  	s28 =	simm.s32 $0x90;
	s29 =	simm.s32 $0xA0;
	v5 =	vor.u32 s31, v2;
	[tilespmem:v4+s16+$0x0] =	vst.idx.msk vm4, v3;
	v16 =	vshrl.u32 v13, $0x1;
	v13 =	vadd.s32 v18, v21;
	v18 =	vld.idx.msk [tilespmem:v32+s11+$0x0], $0xffff  }
0xc6: {  	s30 =	simm.s32 $0xB0;
	v4 =	vor.u32 s28, v2;
	v3 =	vor.u32 s29, v2;
	[tilespmem:v14+s16+$0x0] =	vst.idx.msk vm9, v16;
	v16 =	vadd.s32 v23, v26;
	v23 =	vld [tilespmem:s19+$0x10]  }
0xc7: {  	v6 =	vor.u32 s30, v2;
	v21 =	vsub.s32 v13, v0;
	v14 =	vadd.s32 v15, v25;
	v25 =	vld [tilespmem:s19+$0x20]  }
0xc8: {  	[tilespmem:v33+s16+$0x0] =	vst.idx.msk vm5, v62;
	vm3 =	vge.s32 v13, v0;
	vm4 =	vlt.s32 v13, v1;
	v15 =	vand.u32 $0xFFFFFF80, v21  }
0xc9: {  	s21 =	simm.s32 $0x8;
	s24 =	simm.s32 $0x7C0;
	v19 =	vadd.s32 v20, v19;
	v20 =	vadd.s32 v63, v27;
	v24 =	vsub.s32 v14, v0  }
0xca: {  	s22 =	simm.s32 $0xD0;
	s23 =	simm.s32 $0xE0;
	s25 =	simm.s32 $0x80;
	v21 =	vsub.s32 v16, v0;
	vm5 =	vge.s32 v14, v0;
	v22 =	vsub.s32 v19, v0  }
.LBB2_3:
0xcb: {  	v26 =	vld [tilespmem:s24+$0x30];
	s21 =	sadd.s32 $0x8, s21;
	vm6 =	vlt.s32 v14, v1;
	v27 =	vsub.s32 v20, v0;
	v17 =	vadd.s32 v23, v17  }
0xcc: {  	v24 =	vand.u32 $0xFFFFFF80, v24;
	v23 =	vld [tilespmem:s24+$0xFFFFFFC0];
	p1 =	slt.u32 s21, $0x3F8;
	v28 =	vsub.s32 v17, v0;
	v18 =	vadd.s32 v25, v18;
	[tilespmem:v7+s16+$0x0] =	vst.idx.msk vm1, v12  }
0xcd: {  	vm8 =	vlt.s32 v16, v1;
	vm1 =	vge.s32 v16, v0;
	v7 =	vld [tilespmem:s24+$0xFFFFFFD0];
	v12 =	vsub.s32 v18, v0  }
0xce: {  	v21 =	vand.u32 $0xFFFFFF80, v21;
	vm9 =	vge.s32 v19, v0;
	vm10 =	vlt.s32 v19, v1;
	v25 =	vld [tilespmem:s24+$0xFFFFFFE0];
	[tilespmem:v8+s16+$0x0] =	vst.idx.msk vm0, v10  }
0xcf: {  	vm11 =	vlt.s32 v20, v1;
	v10 =	vand.u32 $0xFFFFFF80, v22;
	vm0 =	vge.s32 v20, v0;
	v8 =	vld [tilespmem:s24+$0xFFFFFFF0];
	[tilespmem:v9+s16+$0x0] =	vst.idx.msk vm2, v11  }
0xd0: {  	vm12 =	vge.s32 v17, v0;
	vm14 =	vlt.s32 v17, v1;
	v11 =	vand.u32 $0xFFFFFF80, v27;
	v9 =	vld [tilespmem:s24+$0x0]  }
0xd1: {  	vm7 =	vlt.s32 v18, v1;
	v27 =	vand.u32 $0xFFFFFF80, v28;
	vm2 =	vge.s32 v18, v0;
	v22 =	vld [tilespmem:s24+$0x10]  }
0xd2: {  	v13 =	vand.u32 $0x7F, v13;
	v14 =	vand.u32 $0x7F, v14;
	v12 =	vand.u32 $0xFFFFFF80, v12;
	v28 =	vld [tilespmem:s24+$0x20]  }
0xd3: {  	v19 =	vand.u32 $0x7F, v19;
	s19 =	sadd.s32 $0x80, s19;
	v16 =	vand.u32 $0x7F, v16;
	v20 =	vand.u32 $0x7F, v20;
	v26 =	vld.idx.msk [tilespmem:v26+s11+$0x0], $0xffff  }
0xd4: {  	v30 =	vor.u32 s25, v2;
	v17 =	vand.u32 $0x7F, v17;
	v31 =	vand.u32 $0x7F, v18;
	v29 =	vld [tilespmem:s19+$0x30]  }
0xd5: {  	vm13 =	vmand vm3, vm4;
	v32 =	vor.u32 s22, v2;
	v33 =	vor.u32 s23, v2;
	v23 =	vld.idx.msk [tilespmem:v23+s11+$0x0], $0xffff  }
0xd6: {  	v13 =	vor.u32 v13, v15;
	vm4 =	vmand vm5, vm6;
	v14 =	vor.u32 v14, v24;
	v34 =	vld.idx.msk [tilespmem:v7+s11+$0x0], $0xffff  }
0xd7: {  	vm5 =	vmand vm9, vm10;
	vm3 =	vmand vm1, vm8;
	v16 =	vor.u32 v16, v21;
	v15 =	vld.idx.msk [tilespmem:v25+s11+$0x0], $0xffff  }
0xd8: {  	v36 =	vor.u32 v19, v10;
	vm1 =	vmand vm0, vm11;
	v7 =	vor.u32 v20, v11;
	v35 =	vld.idx.msk [tilespmem:v8+s11+$0x0], $0xffff  }
0xd9: {  	vm0 =	vmand vm12, vm14;
	v8 =	vor.u32 v17, v27;
	v20 =	vld.idx.msk [tilespmem:v9+s11+$0x0], $0xffff;
	v9 =	vadd.s32 v29, v26  }
0xda: {  	v17 =	vld.idx.msk [tilespmem:v22+s11+$0x0], $0xffff;
	vm6 =	vge.s32 v9, v0;
	vm8 =	vlt.s32 v9, v1;
	v10 =	vsub.s32 v9, v0  }
0xdb: {  	v9 =	vand.u32 $0x7F, v9;
	v18 =	vld.idx.msk [tilespmem:v28+s11+$0x0], $0xffff;
	vm6 =	vmand vm6, vm8;
	v10 =	vand.u32 $0xFFFFFF80, v10  }
0xdc: {  	vm2 =	vmand vm2, vm7;
	v19 =	vld [tilespmem:s19+$0xFFFFFFC0];
	v21 =	vor.u32 v9, v10;
	v9 =	vor.u32 v31, v12  }
0xdd: {  	v4 =	vshrl.u32 v4, $0x1;
	v24 =	vshrl.u32 v3, $0x1;
	v10 =	vshrl.u32 v30, $0x1;
	v22 =	vld [tilespmem:s19+$0xFFFFFFD0]  }
0xde: {  	s20 =	sadd.s32 $0x80, s20;
	v27 =	vshrl.u32 v6, $0x1;
	v12 =	vshrl.u32 v5, $0x1;
	v26 =	vld [tilespmem:s19+$0xFFFFFFE0];
	[tilespmem:v13+s16+$0x0] =	vst.idx.msk vm13, v10;
	v10 =	vshrl.u32 v32, $0x1  }
0xdf: {  	s22 =	sadd.s32 $0xFFFFFFA0, s20;
	s23 =	sadd.s32 $0xFFFFFFB0, s20;
	s26 =	sadd.s32 $0xFFFFFFC0, s20;
	v11 =	vshrl.u32 v33, $0x1;
	v5 =	vor.u32 s20, v2;
	v28 =	vld [tilespmem:s19+$0xFFFFFFF0];
	[tilespmem:v14+s16+$0x0] =	vst.idx.msk vm4, v4  }
0xe0: {  	s28 =	sadd.s32 $0xFFFFFFD0, s20;
	v3 =	vor.u32 s23, v2;
	s23 =	sadd.s32 $0xFFFFFFF0, s20;
	v4 =	vor.u32 s22, v2;
	s22 =	sadd.s32 $0xFFFFFFE0, s20;
	v14 =	vshrl.u32 v5, $0x1;
	v29 =	vld [tilespmem:s19+$0x0];
	[tilespmem:v16+s16+$0x0] =	vst.idx.msk vm3, v24  }
.Ltmp3:
0xe1: {  	s25 =	sadd.s32 $0xFFFFFF90, s20;
	v6 =	vor.u32 s26, v2;
	v5 =	vor.u32 s28, v2;
	v13 =	vadd.s32 v19, v23;
	v23 =	vld [tilespmem:s19+$0x10];
	[tilespmem:v21+s16+$0x0] =	vst.idx.msk vm6, v14;
	(pc) =	sbr.rel @p1 .LBB2_3-.Ltmp3, $4  }
0xe2: {  	vm3 =	vge.s32 v13, v0;
	v19 =	vsub.s32 v13, v0;
	v14 =	vadd.s32 v22, v34;
	v25 =	vld [tilespmem:s19+$0x20]  }
0xe3: {  	vm4 =	vlt.s32 v13, v1;
	v24 =	vsub.s32 v14, v0;
	v16 =	vadd.s32 v26, v15  }
0xe4: {  	v15 =	vand.u32 $0xFFFFFF80, v19;
	v21 =	vsub.s32 v16, v0;
	v19 =	vadd.s32 v28, v35;
	[tilespmem:v36+s16+$0x0] =	vst.idx.msk vm5, v27  }
0xe5: {  	s24 =	sadd.s32 $0x80, s24;
	vm5 =	vge.s32 v14, v0;
	v22 =	vsub.s32 v19, v0;
	v20 =	vadd.s32 v29, v20  }
0xe6: {  	vm6 =	vlt.s32 v14, v1;
	v26 =	vsub.s32 v20, v0;
	v17 =	vadd.s32 v23, v17  }
0xe7: {  	v47 =	vand.u32 $0xFFFFFF80, v24;
	vm7 =	vge.s32 v16, v0;
	vm8 =	vlt.s32 v16, v1  }
0xe8: {  	v21 =	vand.u32 $0xFFFFFF80, v21;
	vm9 =	vge.s32 v19, v0;
	vm10 =	vlt.s32 v19, v1  }
0xe9: {  	v22 =	vand.u32 $0xFFFFFF80, v22;
	vm11 =	vge.s32 v20, v0;
	vm12 =	vlt.s32 v20, v1  }
0xea: {  	v13 =	vand.u32 $0x7F, v13;
	vm3 =	vmand vm3, vm4;
	v50 =	vand.u32 $0x7F, v14  }
0xeb: {  	v52 =	vand.u32 $0x7F, v16;
	v53 =	vand.u32 $0x7F, v19;
	v54 =	vand.u32 $0x7F, v20  }
0xec: {  	v55 =	vor.u32 s25, v2;
	v4 =	vshrl.u32 v4, $0x1;
	v48 =	vsub.s32 v17, v0  }
0xed: {  	v18 =	vadd.s32 v25, v18;
	v26 =	vand.u32 $0xFFFFFF80, v26;
	vm4 =	vge.s32 v17, v0  }
0xee: {  	v13 =	vor.u32 v13, v15;
	vm13 =	vlt.s32 v17, v1;
	vm5 =	vmand vm5, vm6  }
0xef: {  	vm7 =	vmand vm7, vm8;
	v14 =	vor.u32 v50, v47;
	v56 =	vand.u32 $0x7F, v17  }
0xf0: {  	v57 =	vor.u32 v52, v21;
	vm10 =	vmand vm9, vm10;
	v59 =	vor.u32 v53, v22  }
0xf1: {  	[tilespmem:v7+s16+$0x0] =	vst.idx.msk vm1, v12;
	vm12 =	vmand vm11, vm12;
	v61 =	vshrl.u32 v55, $0x1;
	v25 =	vsub.s32 v18, v0  }
0xf2: {  	[tilespmem:v8+s16+$0x0] =	vst.idx.msk vm0, v10;
	v49 =	vand.u32 $0xFFFFFF80, v48;
	vm6 =	vge.s32 v18, v0;
	vm15 =	vlt.s32 v18, v1  }
0xf3: {  	[tilespmem:v9+s16+$0x0] =	vst.idx.msk vm2, v11;
	v58 =	vand.u32 $0x7F, v18;
	v60 =	vor.u32 v54, v26;
	vm14 =	vmand vm4, vm13  }
0xf4: {  	v51 =	vand.u32 $0xFFFFFF80, v25;
	v7 =	vor.u32 v56, v49;
	vm15 =	vmand vm6, vm15;
	[tilespmem:v13+s16+$0x0] =	vst.idx.msk vm3, v61  }
0xf5: {  	v3 =	vshrl.u32 v3, $0x1;
	v8 =	vor.u32 v58, v51;
	[tilespmem:v14+s16+$0x0] =	vst.idx.msk vm5, v4  }
0xf6: {  	v62 =	vshrl.u32 v6, $0x1;
	[tilespmem:v57+s16+$0x0] =	vst.idx.msk vm7, v3  }
0xf7: {  	v5 =	vshrl.u32 v5, $0x1;
	v3 =	vor.u32 s22, v2;
	[tilespmem:v59+s16+$0x0] =	vst.idx.msk vm10, v62  }
0xf8: {  	v63 =	vor.u32 s23, v2;
	[tilespmem:v60+s16+$0x0] =	vst.idx.msk vm12, v5;
	v3 =	vshrl.u32 v3, $0x1  }
0xf9: {  	v4 =	vshrl.u32 v63, $0x1;
	[tilespmem:v7+s16+$0x0] =	vst.idx.msk vm14, v3  }
.Ltmp4:
0xfa: {  	[tilespmem:v8+s16+$0x0] =	vst.idx.msk vm15, v4;
	(pc) =	sbr.rel .LBB2_5-.Ltmp4, $4  }
0xfb: {  	[hbm4b:s8+s1] =	stream.linear.scatter [tilespmem:s16], [sflag:$0x2], $0x2000, $0x38;
	[tilespmem:$0xA680] =	vst v63  }
0xfc: {  	_ =	swait.ge [sflag:s17], $0x2000  }
0xfd: {  	[sflag:s17] =	ssyncset.done $0x0  }
0xfe: {  	[sflag:s17] =	ssyncadd.s32 $0xFFFFE000  }
.LBB2_6:
0xff: {  	_ =	sfence.sel $0x180000  }
0x100: {  	[bflag:$0x0] =	sbarrier.arrive $0xFFFF  }
0x101: {  	_ =	strace $0x90000047  }
0x102: {  	s0 =	sadd.s32 @!p0 $0x100000, s0;
	[bflag:$0x2] =	sbarrier.arrive $0xFFFF  }
0x103: {  	[sflag:s0] =	ssyncadd.tile.s32 @!p0 $0x1;
	_ =	shalt  }
.Lfunc_end2:
_tile_overlayer_lowered:
.L_overlay_start_2:
0x104: {  	(tag) =	ssettag $0x2  }
0x105: {  	s0 =	rddreg [dreg:$0x0];
	s2 =	stileid.u32  }
0x106: {  	s1 =	rddreg [dreg:$0x1];
	p0 =	sne.s32 s2, $0x0  }
0x107: {  	s3 =	rddreg [dreg:$0x2];
	[bflag:$0x3] =	sbarrier.arrive $0xFFFF;
	s2 =	simm.s32 @!p0 $0x1C02  }
0x108: {  	[timem:s3], [sflag:s2] =	dma.local @!p0 [hbm:s0], s1  }
0x109: {  	s0 =	simm.s32 @!p0 $0x2  }
0x10a: {  	_ =	swait.ge @!p0 [sflag:s0], s1  }
0x10b: {  	s1 =	ssub.s32 @!p0 $0x0, s1;
	[sflag:s0] =	ssyncset.done @!p0 $0x0  }
0x10c: {  	[sflag:s0] =	ssyncadd.s32 @!p0 s1  }
0x10d: {  	[bflag:$0x3] =	sbarrier.arrive $0xFFFF  }
0x10e: {  	_ =	shalt  }

</sc_bundles>
